<compile_context>
chip_gen: v7x
topology: tpu7x:2x2x1
jax: 0.10.2.dev20260603
libtpu: 0.0.44.dev20260713+nightly
codegen_flags: <defaults>
</compile_context>

<pallas_src>
import functools

import jax
import jax.numpy as jnp
from jax import lax
from jax.experimental import pallas as pl
from jax.experimental.pallas import tpu as pltpu
from jax.experimental.pallas import tpu_sc as plsc

B = 16384
D = 128
NC, NS = 2, 16
NW = NC * NS
CH = 128
BLK = 4096

CHUNKS = (12288, 4096)


def _gather_rows(table, eng2d, grk2d, row0, bk):
    rows = bk // CH // NW
    nchunk = 2 * rows
    mesh = plsc.VectorSubcoreMesh(
        core_axis_name="c", subcore_axis_name="s",
        num_cores=NC, num_subcores=NS)

    @functools.partial(
        pl.kernel,
        out_type=jax.ShapeDtypeStruct((2 * bk, D), jnp.float32),
        mesh=mesh,
        scratch_types=(
            [pltpu.VMEM((nchunk, CH), jnp.int32)]
            + [pltpu.VMEM((CH, D), jnp.float32)] * nchunk
            + [pltpu.SemaphoreType.DMA] * (2 * nchunk)
        ),
    )
    def gather_kernel(table_hbm, eng_hbm, grk_hbm, out_hbm, idx_v, *rest):
        bufs = rest[:nchunk]
        gsems = rest[nchunk:2 * nchunk]
        ssems = rest[2 * nchunk:]
        wid = lax.axis_index("s") * NC + lax.axis_index("c")
        wrow = row0 + wid * rows
        for j in range(rows):
            pltpu.sync_copy(eng_hbm.at[pl.ds(wrow + j, 1)],
                            idx_v.at[pl.ds(j, 1)])
            pltpu.sync_copy(grk_hbm.at[pl.ds(wrow + j, 1)],
                            idx_v.at[pl.ds(rows + j, 1)])
        dst = [wid * rows * CH + j * CH for j in range(rows)]
        dst += [bk + wid * rows * CH + j * CH for j in range(rows)]
        gathers = [
            pltpu.async_copy(table_hbm.at[idx_v.at[j]], bufs[j], gsems[j])
            for j in range(nchunk)
        ]
        stores = [None] * nchunk
        for j in range(nchunk):
            gathers[j].wait()
            stores[j] = pltpu.async_copy(
                bufs[j], out_hbm.at[pl.ds(dst[j], CH)], ssems[j])
        for j in range(nchunk):
            stores[j].wait()

    return gather_kernel(table, eng2d, grk2d)


def _mlp_body(eng_ref, grk_ref, w1a_ref, w1b_ref, b1_ref, w2_ref, b2_ref,
              w3_ref, b3_ref, out_ref):
    h = eng_ref[...] @ w1a_ref[...] + grk_ref[...] @ w1b_ref[...] + b1_ref[...]
    h = jnp.maximum(h, 0.0)
    h = jnp.maximum(h @ w2_ref[...] + b2_ref[...], 0.0)
    zt = lax.dot_general(w3_ref[...], h, (((1,), (1,)), ((), ()))) + b3_ref[...]
    out_ref[...] = 1.0 / (1.0 + jnp.exp(-zt))


def _mlp_alias_body(big_ref, eng_ref, grk_ref, w1a_ref, w1b_ref, b1_ref,
                    w2_ref, b2_ref, w3_ref, b3_ref, out_ref):
    del big_ref
    _mlp_body(eng_ref, grk_ref, w1a_ref, w1b_ref, b1_ref, w2_ref, b2_ref,
              w3_ref, b3_ref, out_ref)


def _mlp(emb, bk, blk0, big, W1a, W1b, b1, W2, b2, W3t, b3):
    nblk = bk // BLK
    full = lambda shape: pl.BlockSpec(shape, lambda i: (0, 0))
    in_specs = [
        pl.BlockSpec((BLK, D), lambda i: (i, 0)),
        pl.BlockSpec((BLK, D), lambda i, nblk=nblk: (i + nblk, 0)),
        full((D, D)),
        full((D, D)),
        full((1, D)),
        full((D, 64)),
        full((1, 64)),
        full((1, 64)),
        full((1, 1)),
    ]
    args = (emb, emb, W1a, W1b, b1, W2, b2, W3t, b3)
    body = _mlp_body
    kwargs = {}
    if big is not None:
        in_specs = [pl.BlockSpec(memory_space=pl.ANY)] + in_specs
        args = (big,) + args
        body = _mlp_alias_body
        kwargs = {"input_output_aliases": {0: 0}}
    return pl.pallas_call(
        body,
        grid=(nblk,),
        in_specs=in_specs,
        out_specs=pl.BlockSpec((1, BLK), lambda i, blk0=blk0: (0, i + blk0)),
        out_shape=jax.ShapeDtypeStruct((1, B), jnp.float32),
        **kwargs,
    )(*args)


def kernel(eng_ids, grk_ids, table, W1, b1, W2, b2, W3, b3):
    eng2d = eng_ids.astype(jnp.int32).reshape(B // CH, CH)
    grk2d = grk_ids.astype(jnp.int32).reshape(B // CH, CH)
    W1a, W1b = W1[:D], W1[D:]
    b1r = b1.reshape(1, D)
    b2r = b2.reshape(1, 64)
    W3t = W3.reshape(1, 64)
    b3r = b3.reshape(1, 1)
    out = None
    row0 = 0
    for bk in CHUNKS:
        emb = _gather_rows(table, eng2d, grk2d, row0, bk)
        out = _mlp(emb, bk, row0 * CH // BLK, out,
                   W1a, W1b, b1r, W2, b2r, W3t, b3r)
        row0 += bk // CH
    return out.reshape(B, 1)

# --- scband reference (transcript-rebuilt; emitter-appended) ---
"""Pipeline reference for scband-alignment-net-120259084979 (READ-ONLY COPY).

The authoritative reference and input builder live on the scoring server;
editing this copy changes nothing except your own understanding.
"""

import jax, jax.numpy as jnp
import numpy as np

VOCAB = 1000000
EMB = 128
B = 16384


def setup_inputs(seed: int = 0) -> dict:
    key = jax.random.key(seed)
    ks = jax.random.split(key, 10)
    eng_ids = jax.random.randint(ks[0], (B,), 0, VOCAB, dtype=jnp.int64 if jax.config.jax_enable_x64 else jnp.int32)
    grk_ids = jax.random.randint(ks[1], (B,), 0, VOCAB, dtype=jnp.int64 if jax.config.jax_enable_x64 else jnp.int32)
    table = jax.random.normal(ks[2], (VOCAB, EMB), dtype=jnp.float32) * 0.02
    W1 = jax.random.normal(ks[3], (256, 128), dtype=jnp.float32) * (1.0 / np.sqrt(256))
    b1 = jnp.zeros((128,), dtype=jnp.float32)
    W2 = jax.random.normal(ks[4], (128, 64), dtype=jnp.float32) * (1.0 / np.sqrt(128))
    b2 = jnp.zeros((64,), dtype=jnp.float32)
    W3 = jax.random.normal(ks[5], (64, 1), dtype=jnp.float32) * (1.0 / np.sqrt(64))
    b3 = jnp.zeros((1,), dtype=jnp.float32)
    return {"eng_ids": eng_ids, "grk_ids": grk_ids, "table": table,
            "W1": W1, "b1": b1, "W2": W2, "b2": b2, "W3": W3, "b3": b3}


def reference(eng_ids, grk_ids, table, W1, b1, W2, b2, W3, b3):
    # embedding lookups (gather)
    eng_emb = jnp.take(table, eng_ids, axis=0)  # [B, 128]
    grk_emb = jnp.take(table, grk_ids, axis=0)  # [B, 128]
    combined = jnp.concatenate([eng_emb, grk_emb], axis=1)  # [B, 256]
    # MLP (dropout is identity in eval mode)
    h = jax.nn.relu(combined @ W1 + b1)
    h = jax.nn.relu(h @ W2 + b2)
    out = jax.nn.sigmoid(h @ W3 + b3)  # [B, 1]
    return out

if __name__ == "__main__":
    import jax
    _d = setup_inputs()
    print(jax.jit(kernel)(*tuple(_d.values())))

</pallas_src>

<mosaic_0001>
#map = affine_map<(d0, d1) -> (0, 0)>
module attributes {stable_mosaic.version = 14 : i64} {
  func.func @gather_kernel(%arg0: i32, %arg1: i32, %arg2: memref<1000000x128xf32, #tpu.memory_space<hbm>>, %arg3: memref<128x128xi32, #tpu.memory_space<hbm>>, %arg4: memref<128x128xi32, #tpu.memory_space<hbm>>, %arg5: memref<24576x128xf32, #tpu.memory_space<hbm>>, %arg6: memref<6x128xi32, #tpu.memory_space<vmem>>, %arg7: memref<128x128xf32, #tpu.memory_space<vmem>>, %arg8: memref<128x128xf32, #tpu.memory_space<vmem>>, %arg9: memref<128x128xf32, #tpu.memory_space<vmem>>, %arg10: memref<128x128xf32, #tpu.memory_space<vmem>>, %arg11: memref<128x128xf32, #tpu.memory_space<vmem>>, %arg12: memref<128x128xf32, #tpu.memory_space<vmem>>, %arg13: memref<!tpu.dma_semaphore, #tpu.memory_space<semaphore_mem>>, %arg14: memref<!tpu.dma_semaphore, #tpu.memory_space<semaphore_mem>>, %arg15: memref<!tpu.dma_semaphore, #tpu.memory_space<semaphore_mem>>, %arg16: memref<!tpu.dma_semaphore, #tpu.memory_space<semaphore_mem>>, %arg17: memref<!tpu.dma_semaphore, #tpu.memory_space<semaphore_mem>>, %arg18: memref<!tpu.dma_semaphore, #tpu.memory_space<semaphore_mem>>, %arg19: memref<!tpu.dma_semaphore, #tpu.memory_space<semaphore_mem>>, %arg20: memref<!tpu.dma_semaphore, #tpu.memory_space<semaphore_mem>>, %arg21: memref<!tpu.dma_semaphore, #tpu.memory_space<semaphore_mem>>, %arg22: memref<!tpu.dma_semaphore, #tpu.memory_space<semaphore_mem>>, %arg23: memref<!tpu.dma_semaphore, #tpu.memory_space<semaphore_mem>>, %arg24: memref<!tpu.dma_semaphore, #tpu.memory_space<semaphore_mem>>) attributes {dimension_semantics = [#tpu.dimension_semantics<core_parallel>, #tpu.dimension_semantics<subcore_parallel>], iteration_bounds = array<i64: 2, 16>, scalar_prefetch = 0 : i64, scratch_operands = 19 : i64, tpu.core_type = #tpu.core_type<sc_vector_subcore>, window_params = [{transform_indices = #map}, {transform_indices = #map}, {transform_indices = #map}, {transform_indices = #map}]} {
    %mul3A = arith.constant 2 : i32
    %mul3A_0 = arith.muli %arg1, %mul3A : i32
    %add3A = arith.addi %mul3A_0, %arg0 : i32
    %mul3A_1 = arith.constant 3 : i32
    %mul3A_2 = arith.muli %add3A, %mul3A_1 : i32
    %add3A_3 = arith.constant 0 : i32
    %add3A_4 = arith.addi %add3A_3, %mul3A_2 : i32
    %add3A_5 = arith.constant 0 : i32
    %add3A_6 = arith.addi %add3A_4, %add3A_5 : i32
    "tpu.region"() ({
      %run_scoped3A = tpu.sem_alloc : memref<!tpu.dma_semaphore, #tpu.memory_space<semaphore_mem>>
      %dma_start3A_189 = arith.constant 0 : i32
      %dma_start3A_190 = arith.constant 0 : i32
      %dma_start3A_191 = tpu.memref_slice %arg6[%dma_start3A_189, %dma_start3A_190] : memref<6x128xi32, #tpu.memory_space<vmem>> -> memref<1x128xi32, #tpu.memory_space<vmem>>
      %dma_start3A_192 = arith.constant 0 : i32
      %dma_start3A_193 = tpu.memref_slice %arg3[%add3A_6, %dma_start3A_192] : memref<128x128xi32, #tpu.memory_space<hbm>> -> memref<1x128xi32, #tpu.memory_space<hbm>>
      %dma_start3A_194 = arith.constant 0 : i32
      %dma_start3A_195 = arith.constant 0 : i32
      %dma_start3A_196 = tpu.memref_slice %arg6[%dma_start3A_194, %dma_start3A_195] : memref<6x128xi32, #tpu.memory_space<vmem>> -> memref<1x128xi32, #tpu.memory_space<vmem>>
      %dma_start3A_197 = arith.constant 0 : i32
      %dma_start3A_198 = tpu.memref_slice %arg3[%add3A_6, %dma_start3A_197] : memref<128x128xi32, #tpu.memory_space<hbm>> -> memref<1x128xi32, #tpu.memory_space<hbm>>
      tpu.enqueue_dma source(%dma_start3A_198 : memref<1x128xi32, #tpu.memory_space<hbm>>) target(%dma_start3A_196 : memref<1x128xi32, #tpu.memory_space<vmem>>) target_semaphore(%run_scoped3A : memref<!tpu.dma_semaphore, #tpu.memory_space<semaphore_mem>>)
      %dma_wait3A_199 = arith.constant 0 : i32
      %dma_wait3A_200 = arith.constant 0 : i32
      %dma_wait3A_201 = tpu.memref_slice %arg6[%dma_wait3A_199, %dma_wait3A_200] : memref<6x128xi32, #tpu.memory_space<vmem>> -> memref<1x128xi32, #tpu.memory_space<vmem>>
      %dma_wait3A_202 = arith.constant 0 : i32
      %dma_wait3A_203 = tpu.memref_slice %arg3[%add3A_6, %dma_wait3A_202] : memref<128x128xi32, #tpu.memory_space<hbm>> -> memref<1x128xi32, #tpu.memory_space<hbm>>
      %dma_wait3A_204 = arith.constant 0 : i32
      %dma_wait3A_205 = arith.constant 0 : i32
      %dma_wait3A_206 = tpu.memref_slice %arg6[%dma_wait3A_204, %dma_wait3A_205] : memref<6x128xi32, #tpu.memory_space<vmem>> -> memref<1x128xi32, #tpu.memory_space<vmem>>
      %dma_wait3A_207 = arith.constant 0 : i32
      %dma_wait3A_208 = tpu.memref_slice %arg3[%add3A_6, %dma_wait3A_207] : memref<128x128xi32, #tpu.memory_space<hbm>> -> memref<1x128xi32, #tpu.memory_space<hbm>>
      tpu.wait_dma2 semaphore(%run_scoped3A : memref<!tpu.dma_semaphore, #tpu.memory_space<semaphore_mem>>) src(%dma_wait3A_208 : memref<1x128xi32, #tpu.memory_space<hbm>>) dst(%dma_wait3A_206 : memref<1x128xi32, #tpu.memory_space<vmem>>)
      tpu.yield
    }) : () -> ()
    %add3A_7 = arith.constant 0 : i32
    %add3A_8 = arith.addi %add3A_4, %add3A_7 : i32
    "tpu.region"() ({
      %run_scoped3A = tpu.sem_alloc : memref<!tpu.dma_semaphore, #tpu.memory_space<semaphore_mem>>
      %dma_start3A_189 = arith.constant 3 : i32
      %dma_start3A_190 = arith.constant 0 : i32
      %dma_start3A_191 = tpu.memref_slice %arg6[%dma_start3A_189, %dma_start3A_190] : memref<6x128xi32, #tpu.memory_space<vmem>> -> memref<1x128xi32, #tpu.memory_space<vmem>>
      %dma_start3A_192 = arith.constant 0 : i32
      %dma_start3A_193 = tpu.memref_slice %arg4[%add3A_8, %dma_start3A_192] : memref<128x128xi32, #tpu.memory_space<hbm>> -> memref<1x128xi32, #tpu.memory_space<hbm>>
      %dma_start3A_194 = arith.constant 3 : i32
      %dma_start3A_195 = arith.constant 0 : i32
      %dma_start3A_196 = tpu.memref_slice %arg6[%dma_start3A_194, %dma_start3A_195] : memref<6x128xi32, #tpu.memory_space<vmem>> -> memref<1x128xi32, #tpu.memory_space<vmem>>
      %dma_start3A_197 = arith.constant 0 : i32
      %dma_start3A_198 = tpu.memref_slice %arg4[%add3A_8, %dma_start3A_197] : memref<128x128xi32, #tpu.memory_space<hbm>> -> memref<1x128xi32, #tpu.memory_space<hbm>>
      tpu.enqueue_dma source(%dma_start3A_198 : memref<1x128xi32, #tpu.memory_space<hbm>>) target(%dma_start3A_196 : memref<1x128xi32, #tpu.memory_space<vmem>>) target_semaphore(%run_scoped3A : memref<!tpu.dma_semaphore, #tpu.memory_space<semaphore_mem>>)
      %dma_wait3A_199 = arith.constant 3 : i32
      %dma_wait3A_200 = arith.constant 0 : i32
      %dma_wait3A_201 = tpu.memref_slice %arg6[%dma_wait3A_199, %dma_wait3A_200] : memref<6x128xi32, #tpu.memory_space<vmem>> -> memref<1x128xi32, #tpu.memory_space<vmem>>
      %dma_wait3A_202 = arith.constant 0 : i32
      %dma_wait3A_203 = tpu.memref_slice %arg4[%add3A_8, %dma_wait3A_202] : memref<128x128xi32, #tpu.memory_space<hbm>> -> memref<1x128xi32, #tpu.memory_space<hbm>>
      %dma_wait3A_204 = arith.constant 3 : i32
      %dma_wait3A_205 = arith.constant 0 : i32
      %dma_wait3A_206 = tpu.memref_slice %arg6[%dma_wait3A_204, %dma_wait3A_205] : memref<6x128xi32, #tpu.memory_space<vmem>> -> memref<1x128xi32, #tpu.memory_space<vmem>>
      %dma_wait3A_207 = arith.constant 0 : i32
      %dma_wait3A_208 = tpu.memref_slice %arg4[%add3A_8, %dma_wait3A_207] : memref<128x128xi32, #tpu.memory_space<hbm>> -> memref<1x128xi32, #tpu.memory_space<hbm>>
      tpu.wait_dma2 semaphore(%run_scoped3A : memref<!tpu.dma_semaphore, #tpu.memory_space<semaphore_mem>>) src(%dma_wait3A_208 : memref<1x128xi32, #tpu.memory_space<hbm>>) dst(%dma_wait3A_206 : memref<1x128xi32, #tpu.memory_space<vmem>>)
      tpu.yield
    }) : () -> ()
    %add3A_9 = arith.constant 1 : i32
    %add3A_10 = arith.addi %add3A_4, %add3A_9 : i32
    "tpu.region"() ({
      %run_scoped3A = tpu.sem_alloc : memref<!tpu.dma_semaphore, #tpu.memory_space<semaphore_mem>>
      %dma_start3A_189 = arith.constant 1 : i32
      %dma_start3A_190 = arith.constant 0 : i32
      %dma_start3A_191 = tpu.memref_slice %arg6[%dma_start3A_189, %dma_start3A_190] : memref<6x128xi32, #tpu.memory_space<vmem>> -> memref<1x128xi32, #tpu.memory_space<vmem>>
      %dma_start3A_192 = arith.constant 0 : i32
      %dma_start3A_193 = tpu.memref_slice %arg3[%add3A_10, %dma_start3A_192] : memref<128x128xi32, #tpu.memory_space<hbm>> -> memref<1x128xi32, #tpu.memory_space<hbm>>
      %dma_start3A_194 = arith.constant 1 : i32
      %dma_start3A_195 = arith.constant 0 : i32
      %dma_start3A_196 = tpu.memref_slice %arg6[%dma_start3A_194, %dma_start3A_195] : memref<6x128xi32, #tpu.memory_space<vmem>> -> memref<1x128xi32, #tpu.memory_space<vmem>>
      %dma_start3A_197 = arith.constant 0 : i32
      %dma_start3A_198 = tpu.memref_slice %arg3[%add3A_10, %dma_start3A_197] : memref<128x128xi32, #tpu.memory_space<hbm>> -> memref<1x128xi32, #tpu.memory_space<hbm>>
      tpu.enqueue_dma source(%dma_start3A_198 : memref<1x128xi32, #tpu.memory_space<hbm>>) target(%dma_start3A_196 : memref<1x128xi32, #tpu.memory_space<vmem>>) target_semaphore(%run_scoped3A : memref<!tpu.dma_semaphore, #tpu.memory_space<semaphore_mem>>)
      %dma_wait3A_199 = arith.constant 1 : i32
      %dma_wait3A_200 = arith.constant 0 : i32
      %dma_wait3A_201 = tpu.memref_slice %arg6[%dma_wait3A_199, %dma_wait3A_200] : memref<6x128xi32, #tpu.memory_space<vmem>> -> memref<1x128xi32, #tpu.memory_space<vmem>>
      %dma_wait3A_202 = arith.constant 0 : i32
      %dma_wait3A_203 = tpu.memref_slice %arg3[%add3A_10, %dma_wait3A_202] : memref<128x128xi32, #tpu.memory_space<hbm>> -> memref<1x128xi32, #tpu.memory_space<hbm>>
      %dma_wait3A_204 = arith.constant 1 : i32
      %dma_wait3A_205 = arith.constant 0 : i32
      %dma_wait3A_206 = tpu.memref_slice %arg6[%dma_wait3A_204, %dma_wait3A_205] : memref<6x128xi32, #tpu.memory_space<vmem>> -> memref<1x128xi32, #tpu.memory_space<vmem>>
      %dma_wait3A_207 = arith.constant 0 : i32
      %dma_wait3A_208 = tpu.memref_slice %arg3[%add3A_10, %dma_wait3A_207] : memref<128x128xi32, #tpu.memory_space<hbm>> -> memref<1x128xi32, #tpu.memory_space<hbm>>
      tpu.wait_dma2 semaphore(%run_scoped3A : memref<!tpu.dma_semaphore, #tpu.memory_space<semaphore_mem>>) src(%dma_wait3A_208 : memref<1x128xi32, #tpu.memory_space<hbm>>) dst(%dma_wait3A_206 : memref<1x128xi32, #tpu.memory_space<vmem>>)
      tpu.yield
    }) : () -> ()
    %add3A_11 = arith.constant 1 : i32
    %add3A_12 = arith.addi %add3A_4, %add3A_11 : i32
    "tpu.region"() ({
      %run_scoped3A = tpu.sem_alloc : memref<!tpu.dma_semaphore, #tpu.memory_space<semaphore_mem>>
      %dma_start3A_189 = arith.constant 4 : i32
      %dma_start3A_190 = arith.constant 0 : i32
      %dma_start3A_191 = tpu.memref_slice %arg6[%dma_start3A_189, %dma_start3A_190] : memref<6x128xi32, #tpu.memory_space<vmem>> -> memref<1x128xi32, #tpu.memory_space<vmem>>
      %dma_start3A_192 = arith.constant 0 : i32
      %dma_start3A_193 = tpu.memref_slice %arg4[%add3A_12, %dma_start3A_192] : memref<128x128xi32, #tpu.memory_space<hbm>> -> memref<1x128xi32, #tpu.memory_space<hbm>>
      %dma_start3A_194 = arith.constant 4 : i32
      %dma_start3A_195 = arith.constant 0 : i32
      %dma_start3A_196 = tpu.memref_slice %arg6[%dma_start3A_194, %dma_start3A_195] : memref<6x128xi32, #tpu.memory_space<vmem>> -> memref<1x128xi32, #tpu.memory_space<vmem>>
      %dma_start3A_197 = arith.constant 0 : i32
      %dma_start3A_198 = tpu.memref_slice %arg4[%add3A_12, %dma_start3A_197] : memref<128x128xi32, #tpu.memory_space<hbm>> -> memref<1x128xi32, #tpu.memory_space<hbm>>
      tpu.enqueue_dma source(%dma_start3A_198 : memref<1x128xi32, #tpu.memory_space<hbm>>) target(%dma_start3A_196 : memref<1x128xi32, #tpu.memory_space<vmem>>) target_semaphore(%run_scoped3A : memref<!tpu.dma_semaphore, #tpu.memory_space<semaphore_mem>>)
      %dma_wait3A_199 = arith.constant 4 : i32
      %dma_wait3A_200 = arith.constant 0 : i32
      %dma_wait3A_201 = tpu.memref_slice %arg6[%dma_wait3A_199, %dma_wait3A_200] : memref<6x128xi32, #tpu.memory_space<vmem>> -> memref<1x128xi32, #tpu.memory_space<vmem>>
      %dma_wait3A_202 = arith.constant 0 : i32
      %dma_wait3A_203 = tpu.memref_slice %arg4[%add3A_12, %dma_wait3A_202] : memref<128x128xi32, #tpu.memory_space<hbm>> -> memref<1x128xi32, #tpu.memory_space<hbm>>
      %dma_wait3A_204 = arith.constant 4 : i32
      %dma_wait3A_205 = arith.constant 0 : i32
      %dma_wait3A_206 = tpu.memref_slice %arg6[%dma_wait3A_204, %dma_wait3A_205] : memref<6x128xi32, #tpu.memory_space<vmem>> -> memref<1x128xi32, #tpu.memory_space<vmem>>
      %dma_wait3A_207 = arith.constant 0 : i32
      %dma_wait3A_208 = tpu.memref_slice %arg4[%add3A_12, %dma_wait3A_207] : memref<128x128xi32, #tpu.memory_space<hbm>> -> memref<1x128xi32, #tpu.memory_space<hbm>>
      tpu.wait_dma2 semaphore(%run_scoped3A : memref<!tpu.dma_semaphore, #tpu.memory_space<semaphore_mem>>) src(%dma_wait3A_208 : memref<1x128xi32, #tpu.memory_space<hbm>>) dst(%dma_wait3A_206 : memref<1x128xi32, #tpu.memory_space<vmem>>)
      tpu.yield
    }) : () -> ()
    %add3A_13 = arith.constant 2 : i32
    %add3A_14 = arith.addi %add3A_4, %add3A_13 : i32
    "tpu.region"() ({
      %run_scoped3A = tpu.sem_alloc : memref<!tpu.dma_semaphore, #tpu.memory_space<semaphore_mem>>
      %dma_start3A_189 = arith.constant 2 : i32
      %dma_start3A_190 = arith.constant 0 : i32
      %dma_start3A_191 = tpu.memref_slice %arg6[%dma_start3A_189, %dma_start3A_190] : memref<6x128xi32, #tpu.memory_space<vmem>> -> memref<1x128xi32, #tpu.memory_space<vmem>>
      %dma_start3A_192 = arith.constant 0 : i32
      %dma_start3A_193 = tpu.memref_slice %arg3[%add3A_14, %dma_start3A_192] : memref<128x128xi32, #tpu.memory_space<hbm>> -> memref<1x128xi32, #tpu.memory_space<hbm>>
      %dma_start3A_194 = arith.constant 2 : i32
      %dma_start3A_195 = arith.constant 0 : i32
      %dma_start3A_196 = tpu.memref_slice %arg6[%dma_start3A_194, %dma_start3A_195] : memref<6x128xi32, #tpu.memory_space<vmem>> -> memref<1x128xi32, #tpu.memory_space<vmem>>
      %dma_start3A_197 = arith.constant 0 : i32
      %dma_start3A_198 = tpu.memref_slice %arg3[%add3A_14, %dma_start3A_197] : memref<128x128xi32, #tpu.memory_space<hbm>> -> memref<1x128xi32, #tpu.memory_space<hbm>>
      tpu.enqueue_dma source(%dma_start3A_198 : memref<1x128xi32, #tpu.memory_space<hbm>>) target(%dma_start3A_196 : memref<1x128xi32, #tpu.memory_space<vmem>>) target_semaphore(%run_scoped3A : memref<!tpu.dma_semaphore, #tpu.memory_space<semaphore_mem>>)
      %dma_wait3A_199 = arith.constant 2 : i32
      %dma_wait3A_200 = arith.constant 0 : i32
      %dma_wait3A_201 = tpu.memref_slice %arg6[%dma_wait3A_199, %dma_wait3A_200] : memref<6x128xi32, #tpu.memory_space<vmem>> -> memref<1x128xi32, #tpu.memory_space<vmem>>
      %dma_wait3A_202 = arith.constant 0 : i32
      %dma_wait3A_203 = tpu.memref_slice %arg3[%add3A_14, %dma_wait3A_202] : memref<128x128xi32, #tpu.memory_space<hbm>> -> memref<1x128xi32, #tpu.memory_space<hbm>>
      %dma_wait3A_204 = arith.constant 2 : i32
      %dma_wait3A_205 = arith.constant 0 : i32
      %dma_wait3A_206 = tpu.memref_slice %arg6[%dma_wait3A_204, %dma_wait3A_205] : memref<6x128xi32, #tpu.memory_space<vmem>> -> memref<1x128xi32, #tpu.memory_space<vmem>>
      %dma_wait3A_207 = arith.constant 0 : i32
      %dma_wait3A_208 = tpu.memref_slice %arg3[%add3A_14, %dma_wait3A_207] : memref<128x128xi32, #tpu.memory_space<hbm>> -> memref<1x128xi32, #tpu.memory_space<hbm>>
      tpu.wait_dma2 semaphore(%run_scoped3A : memref<!tpu.dma_semaphore, #tpu.memory_space<semaphore_mem>>) src(%dma_wait3A_208 : memref<1x128xi32, #tpu.memory_space<hbm>>) dst(%dma_wait3A_206 : memref<1x128xi32, #tpu.memory_space<vmem>>)
      tpu.yield
    }) : () -> ()
    %add3A_15 = arith.constant 2 : i32
    %add3A_16 = arith.addi %add3A_4, %add3A_15 : i32
    "tpu.region"() ({
      %run_scoped3A = tpu.sem_alloc : memref<!tpu.dma_semaphore, #tpu.memory_space<semaphore_mem>>
      %dma_start3A_189 = arith.constant 5 : i32
      %dma_start3A_190 = arith.constant 0 : i32
      %dma_start3A_191 = tpu.memref_slice %arg6[%dma_start3A_189, %dma_start3A_190] : memref<6x128xi32, #tpu.memory_space<vmem>> -> memref<1x128xi32, #tpu.memory_space<vmem>>
      %dma_start3A_192 = arith.constant 0 : i32
      %dma_start3A_193 = tpu.memref_slice %arg4[%add3A_16, %dma_start3A_192] : memref<128x128xi32, #tpu.memory_space<hbm>> -> memref<1x128xi32, #tpu.memory_space<hbm>>
      %dma_start3A_194 = arith.constant 5 : i32
      %dma_start3A_195 = arith.constant 0 : i32
      %dma_start3A_196 = tpu.memref_slice %arg6[%dma_start3A_194, %dma_start3A_195] : memref<6x128xi32, #tpu.memory_space<vmem>> -> memref<1x128xi32, #tpu.memory_space<vmem>>
      %dma_start3A_197 = arith.constant 0 : i32
      %dma_start3A_198 = tpu.memref_slice %arg4[%add3A_16, %dma_start3A_197] : memref<128x128xi32, #tpu.memory_space<hbm>> -> memref<1x128xi32, #tpu.memory_space<hbm>>
      tpu.enqueue_dma source(%dma_start3A_198 : memref<1x128xi32, #tpu.memory_space<hbm>>) target(%dma_start3A_196 : memref<1x128xi32, #tpu.memory_space<vmem>>) target_semaphore(%run_scoped3A : memref<!tpu.dma_semaphore, #tpu.memory_space<semaphore_mem>>)
      %dma_wait3A_199 = arith.constant 5 : i32
      %dma_wait3A_200 = arith.constant 0 : i32
      %dma_wait3A_201 = tpu.memref_slice %arg6[%dma_wait3A_199, %dma_wait3A_200] : memref<6x128xi32, #tpu.memory_space<vmem>> -> memref<1x128xi32, #tpu.memory_space<vmem>>
      %dma_wait3A_202 = arith.constant 0 : i32
      %dma_wait3A_203 = tpu.memref_slice %arg4[%add3A_16, %dma_wait3A_202] : memref<128x128xi32, #tpu.memory_space<hbm>> -> memref<1x128xi32, #tpu.memory_space<hbm>>
      %dma_wait3A_204 = arith.constant 5 : i32
      %dma_wait3A_205 = arith.constant 0 : i32
      %dma_wait3A_206 = tpu.memref_slice %arg6[%dma_wait3A_204, %dma_wait3A_205] : memref<6x128xi32, #tpu.memory_space<vmem>> -> memref<1x128xi32, #tpu.memory_space<vmem>>
      %dma_wait3A_207 = arith.constant 0 : i32
      %dma_wait3A_208 = tpu.memref_slice %arg4[%add3A_16, %dma_wait3A_207] : memref<128x128xi32, #tpu.memory_space<hbm>> -> memref<1x128xi32, #tpu.memory_space<hbm>>
      tpu.wait_dma2 semaphore(%run_scoped3A : memref<!tpu.dma_semaphore, #tpu.memory_space<semaphore_mem>>) src(%dma_wait3A_208 : memref<1x128xi32, #tpu.memory_space<hbm>>) dst(%dma_wait3A_206 : memref<1x128xi32, #tpu.memory_space<vmem>>)
      tpu.yield
    }) : () -> ()
    %mul3A_17 = arith.constant 3 : i32
    %mul3A_18 = arith.muli %add3A, %mul3A_17 : i32
    %mul3A_19 = arith.constant 128 : i32
    %mul3A_20 = arith.muli %mul3A_18, %mul3A_19 : i32
    %add3A_21 = arith.constant 0 : i32
    %add3A_22 = arith.addi %mul3A_20, %add3A_21 : i32
    %mul3A_23 = arith.constant 3 : i32
    %mul3A_24 = arith.muli %add3A, %mul3A_23 : i32
    %mul3A_25 = arith.constant 128 : i32
    %mul3A_26 = arith.muli %mul3A_24, %mul3A_25 : i32
    %add3A_27 = arith.constant 128 : i32
    %add3A_28 = arith.addi %mul3A_26, %add3A_27 : i32
    %mul3A_29 = arith.constant 3 : i32
    %mul3A_30 = arith.muli %add3A, %mul3A_29 : i32
    %mul3A_31 = arith.constant 128 : i32
    %mul3A_32 = arith.muli %mul3A_30, %mul3A_31 : i32
    %add3A_33 = arith.constant 256 : i32
    %add3A_34 = arith.addi %mul3A_32, %add3A_33 : i32
    %mul3A_35 = arith.constant 3 : i32
    %mul3A_36 = arith.muli %add3A, %mul3A_35 : i32
    %mul3A_37 = arith.constant 128 : i32
    %mul3A_38 = arith.muli %mul3A_36, %mul3A_37 : i32
    %add3A_39 = arith.constant 12288 : i32
    %add3A_40 = arith.addi %add3A_39, %mul3A_38 : i32
    %add3A_41 = arith.constant 0 : i32
    %add3A_42 = arith.addi %add3A_40, %add3A_41 : i32
    %mul3A_43 = arith.constant 3 : i32
    %mul3A_44 = arith.muli %add3A, %mul3A_43 : i32
    %mul3A_45 = arith.constant 128 : i32
    %mul3A_46 = arith.muli %mul3A_44, %mul3A_45 : i32
    %add3A_47 = arith.constant 12288 : i32
    %add3A_48 = arith.addi %add3A_47, %mul3A_46 : i32
    %add3A_49 = arith.constant 128 : i32
    %add3A_50 = arith.addi %add3A_48, %add3A_49 : i32
    %mul3A_51 = arith.constant 3 : i32
    %mul3A_52 = arith.muli %add3A, %mul3A_51 : i32
    %mul3A_53 = arith.constant 128 : i32
    %mul3A_54 = arith.muli %mul3A_52, %mul3A_53 : i32
    %add3A_55 = arith.constant 12288 : i32
    %add3A_56 = arith.addi %add3A_55, %mul3A_54 : i32
    %add3A_57 = arith.constant 256 : i32
    %add3A_58 = arith.addi %add3A_56, %add3A_57 : i32
    %dma_start3A = arith.constant 0 : i32
    %dma_start3A_59 = arith.constant 0 : i32
    %dma_start3A_60 = tpu.memref_slice %arg6[%dma_start3A, %dma_start3A_59] : memref<6x128xi32, #tpu.memory_space<vmem>> -> memref<1x128xi32, #tpu.memory_space<vmem>>
    %dma_start3A_61 = tpu.memref_squeeze %dma_start3A_60 : memref<1x128xi32, #tpu.memory_space<vmem>> -> memref<128xi32, #tpu.memory_space<vmem>>
    %dma_start3A_62 = arith.constant 0 : i32
    %dma_start3A_63 = arith.constant 0 : i32
    %dma_start3A_64 = tpu.memref_slice %arg2[%dma_start3A_62, %dma_start3A_63] : memref<1000000x128xf32, #tpu.memory_space<hbm>> -> memref<1000000x128xf32, #tpu.memory_space<hbm>>
    tpu.enqueue_indirect_dma source(%dma_start3A_64 : memref<1000000x128xf32, #tpu.memory_space<hbm>>) target(%arg7 : memref<128x128xf32, #tpu.memory_space<vmem>>) offsets(%dma_start3A_61 : memref<128xi32, #tpu.memory_space<vmem>>) semaphore(%arg13 : memref<!tpu.dma_semaphore, #tpu.memory_space<semaphore_mem>>)
    %dma_start3A_65 = arith.constant 1 : i32
    %dma_start3A_66 = arith.constant 0 : i32
    %dma_start3A_67 = tpu.memref_slice %arg6[%dma_start3A_65, %dma_start3A_66] : memref<6x128xi32, #tpu.memory_space<vmem>> -> memref<1x128xi32, #tpu.memory_space<vmem>>
    %dma_start3A_68 = tpu.memref_squeeze %dma_start3A_67 : memref<1x128xi32, #tpu.memory_space<vmem>> -> memref<128xi32, #tpu.memory_space<vmem>>
    %dma_start3A_69 = arith.constant 0 : i32
    %dma_start3A_70 = arith.constant 0 : i32
    %dma_start3A_71 = tpu.memref_slice %arg2[%dma_start3A_69, %dma_start3A_70] : memref<1000000x128xf32, #tpu.memory_space<hbm>> -> memref<1000000x128xf32, #tpu.memory_space<hbm>>
    tpu.enqueue_indirect_dma source(%dma_start3A_71 : memref<1000000x128xf32, #tpu.memory_space<hbm>>) target(%arg8 : memref<128x128xf32, #tpu.memory_space<vmem>>) offsets(%dma_start3A_68 : memref<128xi32, #tpu.memory_space<vmem>>) semaphore(%arg14 : memref<!tpu.dma_semaphore, #tpu.memory_space<semaphore_mem>>)
    %dma_start3A_72 = arith.constant 2 : i32
    %dma_start3A_73 = arith.constant 0 : i32
    %dma_start3A_74 = tpu.memref_slice %arg6[%dma_start3A_72, %dma_start3A_73] : memref<6x128xi32, #tpu.memory_space<vmem>> -> memref<1x128xi32, #tpu.memory_space<vmem>>
    %dma_start3A_75 = tpu.memref_squeeze %dma_start3A_74 : memref<1x128xi32, #tpu.memory_space<vmem>> -> memref<128xi32, #tpu.memory_space<vmem>>
    %dma_start3A_76 = arith.constant 0 : i32
    %dma_start3A_77 = arith.constant 0 : i32
    %dma_start3A_78 = tpu.memref_slice %arg2[%dma_start3A_76, %dma_start3A_77] : memref<1000000x128xf32, #tpu.memory_space<hbm>> -> memref<1000000x128xf32, #tpu.memory_space<hbm>>
    tpu.enqueue_indirect_dma source(%dma_start3A_78 : memref<1000000x128xf32, #tpu.memory_space<hbm>>) target(%arg9 : memref<128x128xf32, #tpu.memory_space<vmem>>) offsets(%dma_start3A_75 : memref<128xi32, #tpu.memory_space<vmem>>) semaphore(%arg15 : memref<!tpu.dma_semaphore, #tpu.memory_space<semaphore_mem>>)
    %dma_start3A_79 = arith.constant 3 : i32
    %dma_start3A_80 = arith.constant 0 : i32
    %dma_start3A_81 = tpu.memref_slice %arg6[%dma_start3A_79, %dma_start3A_80] : memref<6x128xi32, #tpu.memory_space<vmem>> -> memref<1x128xi32, #tpu.memory_space<vmem>>
    %dma_start3A_82 = tpu.memref_squeeze %dma_start3A_81 : memref<1x128xi32, #tpu.memory_space<vmem>> -> memref<128xi32, #tpu.memory_space<vmem>>
    %dma_start3A_83 = arith.constant 0 : i32
    %dma_start3A_84 = arith.constant 0 : i32
    %dma_start3A_85 = tpu.memref_slice %arg2[%dma_start3A_83, %dma_start3A_84] : memref<1000000x128xf32, #tpu.memory_space<hbm>> -> memref<1000000x128xf32, #tpu.memory_space<hbm>>
    tpu.enqueue_indirect_dma source(%dma_start3A_85 : memref<1000000x128xf32, #tpu.memory_space<hbm>>) target(%arg10 : memref<128x128xf32, #tpu.memory_space<vmem>>) offsets(%dma_start3A_82 : memref<128xi32, #tpu.memory_space<vmem>>) semaphore(%arg16 : memref<!tpu.dma_semaphore, #tpu.memory_space<semaphore_mem>>)
    %dma_start3A_86 = arith.constant 4 : i32
    %dma_start3A_87 = arith.constant 0 : i32
    %dma_start3A_88 = tpu.memref_slice %arg6[%dma_start3A_86, %dma_start3A_87] : memref<6x128xi32, #tpu.memory_space<vmem>> -> memref<1x128xi32, #tpu.memory_space<vmem>>
    %dma_start3A_89 = tpu.memref_squeeze %dma_start3A_88 : memref<1x128xi32, #tpu.memory_space<vmem>> -> memref<128xi32, #tpu.memory_space<vmem>>
    %dma_start3A_90 = arith.constant 0 : i32
    %dma_start3A_91 = arith.constant 0 : i32
    %dma_start3A_92 = tpu.memref_slice %arg2[%dma_start3A_90, %dma_start3A_91] : memref<1000000x128xf32, #tpu.memory_space<hbm>> -> memref<1000000x128xf32, #tpu.memory_space<hbm>>
    tpu.enqueue_indirect_dma source(%dma_start3A_92 : memref<1000000x128xf32, #tpu.memory_space<hbm>>) target(%arg11 : memref<128x128xf32, #tpu.memory_space<vmem>>) offsets(%dma_start3A_89 : memref<128xi32, #tpu.memory_space<vmem>>) semaphore(%arg17 : memref<!tpu.dma_semaphore, #tpu.memory_space<semaphore_mem>>)
    %dma_start3A_93 = arith.constant 5 : i32
    %dma_start3A_94 = arith.constant 0 : i32
    %dma_start3A_95 = tpu.memref_slice %arg6[%dma_start3A_93, %dma_start3A_94] : memref<6x128xi32, #tpu.memory_space<vmem>> -> memref<1x128xi32, #tpu.memory_space<vmem>>
    %dma_start3A_96 = tpu.memref_squeeze %dma_start3A_95 : memref<1x128xi32, #tpu.memory_space<vmem>> -> memref<128xi32, #tpu.memory_space<vmem>>
    %dma_start3A_97 = arith.constant 0 : i32
    %dma_start3A_98 = arith.constant 0 : i32
    %dma_start3A_99 = tpu.memref_slice %arg2[%dma_start3A_97, %dma_start3A_98] : memref<1000000x128xf32, #tpu.memory_space<hbm>> -> memref<1000000x128xf32, #tpu.memory_space<hbm>>
    tpu.enqueue_indirect_dma source(%dma_start3A_99 : memref<1000000x128xf32, #tpu.memory_space<hbm>>) target(%arg12 : memref<128x128xf32, #tpu.memory_space<vmem>>) offsets(%dma_start3A_96 : memref<128xi32, #tpu.memory_space<vmem>>) semaphore(%arg18 : memref<!tpu.dma_semaphore, #tpu.memory_space<semaphore_mem>>)
    %dma_wait3A = arith.constant 0 : i32
    %dma_wait3A_100 = arith.constant 0 : i32
    %dma_wait3A_101 = tpu.memref_slice %arg6[%dma_wait3A, %dma_wait3A_100] : memref<6x128xi32, #tpu.memory_space<vmem>> -> memref<1x128xi32, #tpu.memory_space<vmem>>
    %dma_wait3A_102 = tpu.memref_squeeze %dma_wait3A_101 : memref<1x128xi32, #tpu.memory_space<vmem>> -> memref<128xi32, #tpu.memory_space<vmem>>
    %dma_wait3A_103 = arith.constant 0 : i32
    %dma_wait3A_104 = arith.constant 0 : i32
    %dma_wait3A_105 = tpu.memref_slice %arg2[%dma_wait3A_103, %dma_wait3A_104] : memref<1000000x128xf32, #tpu.memory_space<hbm>> -> memref<1000000x128xf32, #tpu.memory_space<hbm>>
    tpu.wait_indirect_dma semaphore(%arg13 : memref<!tpu.dma_semaphore, #tpu.memory_space<semaphore_mem>>) src(%dma_wait3A_105 : memref<1000000x128xf32, #tpu.memory_space<hbm>>) dst(%arg7 : memref<128x128xf32, #tpu.memory_space<vmem>>)
    %dma_start3A_106 = arith.constant 0 : i32
    %dma_start3A_107 = tpu.memref_slice %arg5[%add3A_22, %dma_start3A_106] : memref<24576x128xf32, #tpu.memory_space<hbm>> -> memref<128x128xf32, #tpu.memory_space<hbm>>
    %dma_start3A_108 = arith.constant 0 : i32
    %dma_start3A_109 = tpu.memref_slice %arg5[%add3A_22, %dma_start3A_108] : memref<24576x128xf32, #tpu.memory_space<hbm>> -> memref<128x128xf32, #tpu.memory_space<hbm>>
    tpu.enqueue_dma source(%arg7 : memref<128x128xf32, #tpu.memory_space<vmem>>) target(%dma_start3A_109 : memref<128x128xf32, #tpu.memory_space<hbm>>) target_semaphore(%arg19 : memref<!tpu.dma_semaphore, #tpu.memory_space<semaphore_mem>>)
    %dma_wait3A_110 = arith.constant 1 : i32
    %dma_wait3A_111 = arith.constant 0 : i32
    %dma_wait3A_112 = tpu.memref_slice %arg6[%dma_wait3A_110, %dma_wait3A_111] : memref<6x128xi32, #tpu.memory_space<vmem>> -> memref<1x128xi32, #tpu.memory_space<vmem>>
    %dma_wait3A_113 = tpu.memref_squeeze %dma_wait3A_112 : memref<1x128xi32, #tpu.memory_space<vmem>> -> memref<128xi32, #tpu.memory_space<vmem>>
    %dma_wait3A_114 = arith.constant 0 : i32
    %dma_wait3A_115 = arith.constant 0 : i32
    %dma_wait3A_116 = tpu.memref_slice %arg2[%dma_wait3A_114, %dma_wait3A_115] : memref<1000000x128xf32, #tpu.memory_space<hbm>> -> memref<1000000x128xf32, #tpu.memory_space<hbm>>
    tpu.wait_indirect_dma semaphore(%arg14 : memref<!tpu.dma_semaphore, #tpu.memory_space<semaphore_mem>>) src(%dma_wait3A_116 : memref<1000000x128xf32, #tpu.memory_space<hbm>>) dst(%arg8 : memref<128x128xf32, #tpu.memory_space<vmem>>)
    %dma_start3A_117 = arith.constant 0 : i32
    %dma_start3A_118 = tpu.memref_slice %arg5[%add3A_28, %dma_start3A_117] : memref<24576x128xf32, #tpu.memory_space<hbm>> -> memref<128x128xf32, #tpu.memory_space<hbm>>
    %dma_start3A_119 = arith.constant 0 : i32
    %dma_start3A_120 = tpu.memref_slice %arg5[%add3A_28, %dma_start3A_119] : memref<24576x128xf32, #tpu.memory_space<hbm>> -> memref<128x128xf32, #tpu.memory_space<hbm>>
    tpu.enqueue_dma source(%arg8 : memref<128x128xf32, #tpu.memory_space<vmem>>) target(%dma_start3A_120 : memref<128x128xf32, #tpu.memory_space<hbm>>) target_semaphore(%arg20 : memref<!tpu.dma_semaphore, #tpu.memory_space<semaphore_mem>>)
    %dma_wait3A_121 = arith.constant 2 : i32
    %dma_wait3A_122 = arith.constant 0 : i32
    %dma_wait3A_123 = tpu.memref_slice %arg6[%dma_wait3A_121, %dma_wait3A_122] : memref<6x128xi32, #tpu.memory_space<vmem>> -> memref<1x128xi32, #tpu.memory_space<vmem>>
    %dma_wait3A_124 = tpu.memref_squeeze %dma_wait3A_123 : memref<1x128xi32, #tpu.memory_space<vmem>> -> memref<128xi32, #tpu.memory_space<vmem>>
    %dma_wait3A_125 = arith.constant 0 : i32
    %dma_wait3A_126 = arith.constant 0 : i32
    %dma_wait3A_127 = tpu.memref_slice %arg2[%dma_wait3A_125, %dma_wait3A_126] : memref<1000000x128xf32, #tpu.memory_space<hbm>> -> memref<1000000x128xf32, #tpu.memory_space<hbm>>
    tpu.wait_indirect_dma semaphore(%arg15 : memref<!tpu.dma_semaphore, #tpu.memory_space<semaphore_mem>>) src(%dma_wait3A_127 : memref<1000000x128xf32, #tpu.memory_space<hbm>>) dst(%arg9 : memref<128x128xf32, #tpu.memory_space<vmem>>)
    %dma_start3A_128 = arith.constant 0 : i32
    %dma_start3A_129 = tpu.memref_slice %arg5[%add3A_34, %dma_start3A_128] : memref<24576x128xf32, #tpu.memory_space<hbm>> -> memref<128x128xf32, #tpu.memory_space<hbm>>
    %dma_start3A_130 = arith.constant 0 : i32
    %dma_start3A_131 = tpu.memref_slice %arg5[%add3A_34, %dma_start3A_130] : memref<24576x128xf32, #tpu.memory_space<hbm>> -> memref<128x128xf32, #tpu.memory_space<hbm>>
    tpu.enqueue_dma source(%arg9 : memref<128x128xf32, #tpu.memory_space<vmem>>) target(%dma_start3A_131 : memref<128x128xf32, #tpu.memory_space<hbm>>) target_semaphore(%arg21 : memref<!tpu.dma_semaphore, #tpu.memory_space<semaphore_mem>>)
    %dma_wait3A_132 = arith.constant 3 : i32
    %dma_wait3A_133 = arith.constant 0 : i32
    %dma_wait3A_134 = tpu.memref_slice %arg6[%dma_wait3A_132, %dma_wait3A_133] : memref<6x128xi32, #tpu.memory_space<vmem>> -> memref<1x128xi32, #tpu.memory_space<vmem>>
    %dma_wait3A_135 = tpu.memref_squeeze %dma_wait3A_134 : memref<1x128xi32, #tpu.memory_space<vmem>> -> memref<128xi32, #tpu.memory_space<vmem>>
    %dma_wait3A_136 = arith.constant 0 : i32
    %dma_wait3A_137 = arith.constant 0 : i32
    %dma_wait3A_138 = tpu.memref_slice %arg2[%dma_wait3A_136, %dma_wait3A_137] : memref<1000000x128xf32, #tpu.memory_space<hbm>> -> memref<1000000x128xf32, #tpu.memory_space<hbm>>
    tpu.wait_indirect_dma semaphore(%arg16 : memref<!tpu.dma_semaphore, #tpu.memory_space<semaphore_mem>>) src(%dma_wait3A_138 : memref<1000000x128xf32, #tpu.memory_space<hbm>>) dst(%arg10 : memref<128x128xf32, #tpu.memory_space<vmem>>)
    %dma_start3A_139 = arith.constant 0 : i32
    %dma_start3A_140 = tpu.memref_slice %arg5[%add3A_42, %dma_start3A_139] : memref<24576x128xf32, #tpu.memory_space<hbm>> -> memref<128x128xf32, #tpu.memory_space<hbm>>
    %dma_start3A_141 = arith.constant 0 : i32
    %dma_start3A_142 = tpu.memref_slice %arg5[%add3A_42, %dma_start3A_141] : memref<24576x128xf32, #tpu.memory_space<hbm>> -> memref<128x128xf32, #tpu.memory_space<hbm>>
    tpu.enqueue_dma source(%arg10 : memref<128x128xf32, #tpu.memory_space<vmem>>) target(%dma_start3A_142 : memref<128x128xf32, #tpu.memory_space<hbm>>) target_semaphore(%arg22 : memref<!tpu.dma_semaphore, #tpu.memory_space<semaphore_mem>>)
    %dma_wait3A_143 = arith.constant 4 : i32
    %dma_wait3A_144 = arith.constant 0 : i32
    %dma_wait3A_145 = tpu.memref_slice %arg6[%dma_wait3A_143, %dma_wait3A_144] : memref<6x128xi32, #tpu.memory_space<vmem>> -> memref<1x128xi32, #tpu.memory_space<vmem>>
    %dma_wait3A_146 = tpu.memref_squeeze %dma_wait3A_145 : memref<1x128xi32, #tpu.memory_space<vmem>> -> memref<128xi32, #tpu.memory_space<vmem>>
    %dma_wait3A_147 = arith.constant 0 : i32
    %dma_wait3A_148 = arith.constant 0 : i32
    %dma_wait3A_149 = tpu.memref_slice %arg2[%dma_wait3A_147, %dma_wait3A_148] : memref<1000000x128xf32, #tpu.memory_space<hbm>> -> memref<1000000x128xf32, #tpu.memory_space<hbm>>
    tpu.wait_indirect_dma semaphore(%arg17 : memref<!tpu.dma_semaphore, #tpu.memory_space<semaphore_mem>>) src(%dma_wait3A_149 : memref<1000000x128xf32, #tpu.memory_space<hbm>>) dst(%arg11 : memref<128x128xf32, #tpu.memory_space<vmem>>)
    %dma_start3A_150 = arith.constant 0 : i32
    %dma_start3A_151 = tpu.memref_slice %arg5[%add3A_50, %dma_start3A_150] : memref<24576x128xf32, #tpu.memory_space<hbm>> -> memref<128x128xf32, #tpu.memory_space<hbm>>
    %dma_start3A_152 = arith.constant 0 : i32
    %dma_start3A_153 = tpu.memref_slice %arg5[%add3A_50, %dma_start3A_152] : memref<24576x128xf32, #tpu.memory_space<hbm>> -> memref<128x128xf32, #tpu.memory_space<hbm>>
    tpu.enqueue_dma source(%arg11 : memref<128x128xf32, #tpu.memory_space<vmem>>) target(%dma_start3A_153 : memref<128x128xf32, #tpu.memory_space<hbm>>) target_semaphore(%arg23 : memref<!tpu.dma_semaphore, #tpu.memory_space<semaphore_mem>>)
    %dma_wait3A_154 = arith.constant 5 : i32
    %dma_wait3A_155 = arith.constant 0 : i32
    %dma_wait3A_156 = tpu.memref_slice %arg6[%dma_wait3A_154, %dma_wait3A_155] : memref<6x128xi32, #tpu.memory_space<vmem>> -> memref<1x128xi32, #tpu.memory_space<vmem>>
    %dma_wait3A_157 = tpu.memref_squeeze %dma_wait3A_156 : memref<1x128xi32, #tpu.memory_space<vmem>> -> memref<128xi32, #tpu.memory_space<vmem>>
    %dma_wait3A_158 = arith.constant 0 : i32
    %dma_wait3A_159 = arith.constant 0 : i32
    %dma_wait3A_160 = tpu.memref_slice %arg2[%dma_wait3A_158, %dma_wait3A_159] : memref<1000000x128xf32, #tpu.memory_space<hbm>> -> memref<1000000x128xf32, #tpu.memory_space<hbm>>
    tpu.wait_indirect_dma semaphore(%arg18 : memref<!tpu.dma_semaphore, #tpu.memory_space<semaphore_mem>>) src(%dma_wait3A_160 : memref<1000000x128xf32, #tpu.memory_space<hbm>>) dst(%arg12 : memref<128x128xf32, #tpu.memory_space<vmem>>)
    %dma_start3A_161 = arith.constant 0 : i32
    %dma_start3A_162 = tpu.memref_slice %arg5[%add3A_58, %dma_start3A_161] : memref<24576x128xf32, #tpu.memory_space<hbm>> -> memref<128x128xf32, #tpu.memory_space<hbm>>
    %dma_start3A_163 = arith.constant 0 : i32
    %dma_start3A_164 = tpu.memref_slice %arg5[%add3A_58, %dma_start3A_163] : memref<24576x128xf32, #tpu.memory_space<hbm>> -> memref<128x128xf32, #tpu.memory_space<hbm>>
    tpu.enqueue_dma source(%arg12 : memref<128x128xf32, #tpu.memory_space<vmem>>) target(%dma_start3A_164 : memref<128x128xf32, #tpu.memory_space<hbm>>) target_semaphore(%arg24 : memref<!tpu.dma_semaphore, #tpu.memory_space<semaphore_mem>>)
    %dma_wait3A_165 = arith.constant 0 : i32
    %dma_wait3A_166 = tpu.memref_slice %arg5[%add3A_22, %dma_wait3A_165] : memref<24576x128xf32, #tpu.memory_space<hbm>> -> memref<128x128xf32, #tpu.memory_space<hbm>>
    %dma_wait3A_167 = arith.constant 0 : i32
    %dma_wait3A_168 = tpu.memref_slice %arg5[%add3A_22, %dma_wait3A_167] : memref<24576x128xf32, #tpu.memory_space<hbm>> -> memref<128x128xf32, #tpu.memory_space<hbm>>
    tpu.wait_dma2 semaphore(%arg19 : memref<!tpu.dma_semaphore, #tpu.memory_space<semaphore_mem>>) src(%arg7 : memref<128x128xf32, #tpu.memory_space<vmem>>) dst(%dma_wait3A_168 : memref<128x128xf32, #tpu.memory_space<hbm>>)
    %dma_wait3A_169 = arith.constant 0 : i32
    %dma_wait3A_170 = tpu.memref_slice %arg5[%add3A_28, %dma_wait3A_169] : memref<24576x128xf32, #tpu.memory_space<hbm>> -> memref<128x128xf32, #tpu.memory_space<hbm>>
    %dma_wait3A_171 = arith.constant 0 : i32
    %dma_wait3A_172 = tpu.memref_slice %arg5[%add3A_28, %dma_wait3A_171] : memref<24576x128xf32, #tpu.memory_space<hbm>> -> memref<128x128xf32, #tpu.memory_space<hbm>>
    tpu.wait_dma2 semaphore(%arg20 : memref<!tpu.dma_semaphore, #tpu.memory_space<semaphore_mem>>) src(%arg8 : memref<128x128xf32, #tpu.memory_space<vmem>>) dst(%dma_wait3A_172 : memref<128x128xf32, #tpu.memory_space<hbm>>)
    %dma_wait3A_173 = arith.constant 0 : i32
    %dma_wait3A_174 = tpu.memref_slice %arg5[%add3A_34, %dma_wait3A_173] : memref<24576x128xf32, #tpu.memory_space<hbm>> -> memref<128x128xf32, #tpu.memory_space<hbm>>
    %dma_wait3A_175 = arith.constant 0 : i32
    %dma_wait3A_176 = tpu.memref_slice %arg5[%add3A_34, %dma_wait3A_175] : memref<24576x128xf32, #tpu.memory_space<hbm>> -> memref<128x128xf32, #tpu.memory_space<hbm>>
    tpu.wait_dma2 semaphore(%arg21 : memref<!tpu.dma_semaphore, #tpu.memory_space<semaphore_mem>>) src(%arg9 : memref<128x128xf32, #tpu.memory_space<vmem>>) dst(%dma_wait3A_176 : memref<128x128xf32, #tpu.memory_space<hbm>>)
    %dma_wait3A_177 = arith.constant 0 : i32
    %dma_wait3A_178 = tpu.memref_slice %arg5[%add3A_42, %dma_wait3A_177] : memref<24576x128xf32, #tpu.memory_space<hbm>> -> memref<128x128xf32, #tpu.memory_space<hbm>>
    %dma_wait3A_179 = arith.constant 0 : i32
    %dma_wait3A_180 = tpu.memref_slice %arg5[%add3A_42, %dma_wait3A_179] : memref<24576x128xf32, #tpu.memory_space<hbm>> -> memref<128x128xf32, #tpu.memory_space<hbm>>
    tpu.wait_dma2 semaphore(%arg22 : memref<!tpu.dma_semaphore, #tpu.memory_space<semaphore_mem>>) src(%arg10 : memref<128x128xf32, #tpu.memory_space<vmem>>) dst(%dma_wait3A_180 : memref<128x128xf32, #tpu.memory_space<hbm>>)
    %dma_wait3A_181 = arith.constant 0 : i32
    %dma_wait3A_182 = tpu.memref_slice %arg5[%add3A_50, %dma_wait3A_181] : memref<24576x128xf32, #tpu.memory_space<hbm>> -> memref<128x128xf32, #tpu.memory_space<hbm>>
    %dma_wait3A_183 = arith.constant 0 : i32
    %dma_wait3A_184 = tpu.memref_slice %arg5[%add3A_50, %dma_wait3A_183] : memref<24576x128xf32, #tpu.memory_space<hbm>> -> memref<128x128xf32, #tpu.memory_space<hbm>>
    tpu.wait_dma2 semaphore(%arg23 : memref<!tpu.dma_semaphore, #tpu.memory_space<semaphore_mem>>) src(%arg11 : memref<128x128xf32, #tpu.memory_space<vmem>>) dst(%dma_wait3A_184 : memref<128x128xf32, #tpu.memory_space<hbm>>)
    %dma_wait3A_185 = arith.constant 0 : i32
    %dma_wait3A_186 = tpu.memref_slice %arg5[%add3A_58, %dma_wait3A_185] : memref<24576x128xf32, #tpu.memory_space<hbm>> -> memref<128x128xf32, #tpu.memory_space<hbm>>
    %dma_wait3A_187 = arith.constant 0 : i32
    %dma_wait3A_188 = tpu.memref_slice %arg5[%add3A_58, %dma_wait3A_187] : memref<24576x128xf32, #tpu.memory_space<hbm>> -> memref<128x128xf32, #tpu.memory_space<hbm>>
    tpu.wait_dma2 semaphore(%arg24 : memref<!tpu.dma_semaphore, #tpu.memory_space<semaphore_mem>>) src(%arg12 : memref<128x128xf32, #tpu.memory_space<vmem>>) dst(%dma_wait3A_188 : memref<128x128xf32, #tpu.memory_space<hbm>>)
    return
  }
}

#map = affine_map<(d0, d1) -> (0, 0)>
module attributes {stable_mosaic.version = 14 : i64} {
  func.func @gather_kernel(%arg0: i32, %arg1: i32, %arg2: memref<1000000x128xf32, #tpu.memory_space<hbm>>, %arg3: memref<128x128xi32, #tpu.memory_space<hbm>>, %arg4: memref<128x128xi32, #tpu.memory_space<hbm>>, %arg5: memref<8192x128xf32, #tpu.memory_space<hbm>>, %arg6: memref<2x128xi32, #tpu.memory_space<vmem>>, %arg7: memref<128x128xf32, #tpu.memory_space<vmem>>, %arg8: memref<128x128xf32, #tpu.memory_space<vmem>>, %arg9: memref<!tpu.dma_semaphore, #tpu.memory_space<semaphore_mem>>, %arg10: memref<!tpu.dma_semaphore, #tpu.memory_space<semaphore_mem>>, %arg11: memref<!tpu.dma_semaphore, #tpu.memory_space<semaphore_mem>>, %arg12: memref<!tpu.dma_semaphore, #tpu.memory_space<semaphore_mem>>) attributes {dimension_semantics = [#tpu.dimension_semantics<core_parallel>, #tpu.dimension_semantics<subcore_parallel>], iteration_bounds = array<i64: 2, 16>, scalar_prefetch = 0 : i64, scratch_operands = 7 : i64, tpu.core_type = #tpu.core_type<sc_vector_subcore>, window_params = [{transform_indices = #map}, {transform_indices = #map}, {transform_indices = #map}, {transform_indices = #map}]} {
    %mul3A = arith.constant 2 : i32
    %mul3A_0 = arith.muli %arg1, %mul3A : i32
    %add3A = arith.addi %mul3A_0, %arg0 : i32
    %mul3A_1 = arith.constant 1 : i32
    %mul3A_2 = arith.muli %add3A, %mul3A_1 : i32
    %add3A_3 = arith.constant 96 : i32
    %add3A_4 = arith.addi %add3A_3, %mul3A_2 : i32
    %add3A_5 = arith.constant 0 : i32
    %add3A_6 = arith.addi %add3A_4, %add3A_5 : i32
    "tpu.region"() ({
      %run_scoped3A = tpu.sem_alloc : memref<!tpu.dma_semaphore, #tpu.memory_space<semaphore_mem>>
      %dma_start3A_65 = arith.constant 0 : i32
      %dma_start3A_66 = arith.constant 0 : i32
      %dma_start3A_67 = tpu.memref_slice %arg6[%dma_start3A_65, %dma_start3A_66] : memref<2x128xi32, #tpu.memory_space<vmem>> -> memref<1x128xi32, #tpu.memory_space<vmem>>
      %dma_start3A_68 = arith.constant 0 : i32
      %dma_start3A_69 = tpu.memref_slice %arg3[%add3A_6, %dma_start3A_68] : memref<128x128xi32, #tpu.memory_space<hbm>> -> memref<1x128xi32, #tpu.memory_space<hbm>>
      %dma_start3A_70 = arith.constant 0 : i32
      %dma_start3A_71 = arith.constant 0 : i32
      %dma_start3A_72 = tpu.memref_slice %arg6[%dma_start3A_70, %dma_start3A_71] : memref<2x128xi32, #tpu.memory_space<vmem>> -> memref<1x128xi32, #tpu.memory_space<vmem>>
      %dma_start3A_73 = arith.constant 0 : i32
      %dma_start3A_74 = tpu.memref_slice %arg3[%add3A_6, %dma_start3A_73] : memref<128x128xi32, #tpu.memory_space<hbm>> -> memref<1x128xi32, #tpu.memory_space<hbm>>
      tpu.enqueue_dma source(%dma_start3A_74 : memref<1x128xi32, #tpu.memory_space<hbm>>) target(%dma_start3A_72 : memref<1x128xi32, #tpu.memory_space<vmem>>) target_semaphore(%run_scoped3A : memref<!tpu.dma_semaphore, #tpu.memory_space<semaphore_mem>>)
      %dma_wait3A_75 = arith.constant 0 : i32
      %dma_wait3A_76 = arith.constant 0 : i32
      %dma_wait3A_77 = tpu.memref_slice %arg6[%dma_wait3A_75, %dma_wait3A_76] : memref<2x128xi32, #tpu.memory_space<vmem>> -> memref<1x128xi32, #tpu.memory_space<vmem>>
      %dma_wait3A_78 = arith.constant 0 : i32
      %dma_wait3A_79 = tpu.memref_slice %arg3[%add3A_6, %dma_wait3A_78] : memref<128x128xi32, #tpu.memory_space<hbm>> -> memref<1x128xi32, #tpu.memory_space<hbm>>
      %dma_wait3A_80 = arith.constant 0 : i32
      %dma_wait3A_81 = arith.constant 0 : i32
      %dma_wait3A_82 = tpu.memref_slice %arg6[%dma_wait3A_80, %dma_wait3A_81] : memref<2x128xi32, #tpu.memory_space<vmem>> -> memref<1x128xi32, #tpu.memory_space<vmem>>
      %dma_wait3A_83 = arith.constant 0 : i32
      %dma_wait3A_84 = tpu.memref_slice %arg3[%add3A_6, %dma_wait3A_83] : memref<128x128xi32, #tpu.memory_space<hbm>> -> memref<1x128xi32, #tpu.memory_space<hbm>>
      tpu.wait_dma2 semaphore(%run_scoped3A : memref<!tpu.dma_semaphore, #tpu.memory_space<semaphore_mem>>) src(%dma_wait3A_84 : memref<1x128xi32, #tpu.memory_space<hbm>>) dst(%dma_wait3A_82 : memref<1x128xi32, #tpu.memory_space<vmem>>)
      tpu.yield
    }) : () -> ()
    %add3A_7 = arith.constant 0 : i32
    %add3A_8 = arith.addi %add3A_4, %add3A_7 : i32
    "tpu.region"() ({
      %run_scoped3A = tpu.sem_alloc : memref<!tpu.dma_semaphore, #tpu.memory_space<semaphore_mem>>
      %dma_start3A_65 = arith.constant 1 : i32
      %dma_start3A_66 = arith.constant 0 : i32
      %dma_start3A_67 = tpu.memref_slice %arg6[%dma_start3A_65, %dma_start3A_66] : memref<2x128xi32, #tpu.memory_space<vmem>> -> memref<1x128xi32, #tpu.memory_space<vmem>>
      %dma_start3A_68 = arith.constant 0 : i32
      %dma_start3A_69 = tpu.memref_slice %arg4[%add3A_8, %dma_start3A_68] : memref<128x128xi32, #tpu.memory_space<hbm>> -> memref<1x128xi32, #tpu.memory_space<hbm>>
      %dma_start3A_70 = arith.constant 1 : i32
      %dma_start3A_71 = arith.constant 0 : i32
      %dma_start3A_72 = tpu.memref_slice %arg6[%dma_start3A_70, %dma_start3A_71] : memref<2x128xi32, #tpu.memory_space<vmem>> -> memref<1x128xi32, #tpu.memory_space<vmem>>
      %dma_start3A_73 = arith.constant 0 : i32
      %dma_start3A_74 = tpu.memref_slice %arg4[%add3A_8, %dma_start3A_73] : memref<128x128xi32, #tpu.memory_space<hbm>> -> memref<1x128xi32, #tpu.memory_space<hbm>>
      tpu.enqueue_dma source(%dma_start3A_74 : memref<1x128xi32, #tpu.memory_space<hbm>>) target(%dma_start3A_72 : memref<1x128xi32, #tpu.memory_space<vmem>>) target_semaphore(%run_scoped3A : memref<!tpu.dma_semaphore, #tpu.memory_space<semaphore_mem>>)
      %dma_wait3A_75 = arith.constant 1 : i32
      %dma_wait3A_76 = arith.constant 0 : i32
      %dma_wait3A_77 = tpu.memref_slice %arg6[%dma_wait3A_75, %dma_wait3A_76] : memref<2x128xi32, #tpu.memory_space<vmem>> -> memref<1x128xi32, #tpu.memory_space<vmem>>
      %dma_wait3A_78 = arith.constant 0 : i32
      %dma_wait3A_79 = tpu.memref_slice %arg4[%add3A_8, %dma_wait3A_78] : memref<128x128xi32, #tpu.memory_space<hbm>> -> memref<1x128xi32, #tpu.memory_space<hbm>>
      %dma_wait3A_80 = arith.constant 1 : i32
      %dma_wait3A_81 = arith.constant 0 : i32
      %dma_wait3A_82 = tpu.memref_slice %arg6[%dma_wait3A_80, %dma_wait3A_81] : memref<2x128xi32, #tpu.memory_space<vmem>> -> memref<1x128xi32, #tpu.memory_space<vmem>>
      %dma_wait3A_83 = arith.constant 0 : i32
      %dma_wait3A_84 = tpu.memref_slice %arg4[%add3A_8, %dma_wait3A_83] : memref<128x128xi32, #tpu.memory_space<hbm>> -> memref<1x128xi32, #tpu.memory_space<hbm>>
      tpu.wait_dma2 semaphore(%run_scoped3A : memref<!tpu.dma_semaphore, #tpu.memory_space<semaphore_mem>>) src(%dma_wait3A_84 : memref<1x128xi32, #tpu.memory_space<hbm>>) dst(%dma_wait3A_82 : memref<1x128xi32, #tpu.memory_space<vmem>>)
      tpu.yield
    }) : () -> ()
    %mul3A_9 = arith.constant 1 : i32
    %mul3A_10 = arith.muli %add3A, %mul3A_9 : i32
    %mul3A_11 = arith.constant 128 : i32
    %mul3A_12 = arith.muli %mul3A_10, %mul3A_11 : i32
    %add3A_13 = arith.constant 0 : i32
    %add3A_14 = arith.addi %mul3A_12, %add3A_13 : i32
    %mul3A_15 = arith.constant 1 : i32
    %mul3A_16 = arith.muli %add3A, %mul3A_15 : i32
    %mul3A_17 = arith.constant 128 : i32
    %mul3A_18 = arith.muli %mul3A_16, %mul3A_17 : i32
    %add3A_19 = arith.constant 4096 : i32
    %add3A_20 = arith.addi %add3A_19, %mul3A_18 : i32
    %add3A_21 = arith.constant 0 : i32
    %add3A_22 = arith.addi %add3A_20, %add3A_21 : i32
    %dma_start3A = arith.constant 0 : i32
    %dma_start3A_23 = arith.constant 0 : i32
    %dma_start3A_24 = tpu.memref_slice %arg6[%dma_start3A, %dma_start3A_23] : memref<2x128xi32, #tpu.memory_space<vmem>> -> memref<1x128xi32, #tpu.memory_space<vmem>>
    %dma_start3A_25 = tpu.memref_squeeze %dma_start3A_24 : memref<1x128xi32, #tpu.memory_space<vmem>> -> memref<128xi32, #tpu.memory_space<vmem>>
    %dma_start3A_26 = arith.constant 0 : i32
    %dma_start3A_27 = arith.constant 0 : i32
    %dma_start3A_28 = tpu.memref_slice %arg2[%dma_start3A_26, %dma_start3A_27] : memref<1000000x128xf32, #tpu.memory_space<hbm>> -> memref<1000000x128xf32, #tpu.memory_space<hbm>>
    tpu.enqueue_indirect_dma source(%dma_start3A_28 : memref<1000000x128xf32, #tpu.memory_space<hbm>>) target(%arg7 : memref<128x128xf32, #tpu.memory_space<vmem>>) offsets(%dma_start3A_25 : memref<128xi32, #tpu.memory_space<vmem>>) semaphore(%arg9 : memref<!tpu.dma_semaphore, #tpu.memory_space<semaphore_mem>>)
    %dma_start3A_29 = arith.constant 1 : i32
    %dma_start3A_30 = arith.constant 0 : i32
    %dma_start3A_31 = tpu.memref_slice %arg6[%dma_start3A_29, %dma_start3A_30] : memref<2x128xi32, #tpu.memory_space<vmem>> -> memref<1x128xi32, #tpu.memory_space<vmem>>
    %dma_start3A_32 = tpu.memref_squeeze %dma_start3A_31 : memref<1x128xi32, #tpu.memory_space<vmem>> -> memref<128xi32, #tpu.memory_space<vmem>>
    %dma_start3A_33 = arith.constant 0 : i32
    %dma_start3A_34 = arith.constant 0 : i32
    %dma_start3A_35 = tpu.memref_slice %arg2[%dma_start3A_33, %dma_start3A_34] : memref<1000000x128xf32, #tpu.memory_space<hbm>> -> memref<1000000x128xf32, #tpu.memory_space<hbm>>
    tpu.enqueue_indirect_dma source(%dma_start3A_35 : memref<1000000x128xf32, #tpu.memory_space<hbm>>) target(%arg8 : memref<128x128xf32, #tpu.memory_space<vmem>>) offsets(%dma_start3A_32 : memref<128xi32, #tpu.memory_space<vmem>>) semaphore(%arg10 : memref<!tpu.dma_semaphore, #tpu.memory_space<semaphore_mem>>)
    %dma_wait3A = arith.constant 0 : i32
    %dma_wait3A_36 = arith.constant 0 : i32
    %dma_wait3A_37 = tpu.memref_slice %arg6[%dma_wait3A, %dma_wait3A_36] : memref<2x128xi32, #tpu.memory_space<vmem>> -> memref<1x128xi32, #tpu.memory_space<vmem>>
    %dma_wait3A_38 = tpu.memref_squeeze %dma_wait3A_37 : memref<1x128xi32, #tpu.memory_space<vmem>> -> memref<128xi32, #tpu.memory_space<vmem>>
    %dma_wait3A_39 = arith.constant 0 : i32
    %dma_wait3A_40 = arith.constant 0 : i32
    %dma_wait3A_41 = tpu.memref_slice %arg2[%dma_wait3A_39, %dma_wait3A_40] : memref<1000000x128xf32, #tpu.memory_space<hbm>> -> memref<1000000x128xf32, #tpu.memory_space<hbm>>
    tpu.wait_indirect_dma semaphore(%arg9 : memref<!tpu.dma_semaphore, #tpu.memory_space<semaphore_mem>>) src(%dma_wait3A_41 : memref<1000000x128xf32, #tpu.memory_space<hbm>>) dst(%arg7 : memref<128x128xf32, #tpu.memory_space<vmem>>)
    %dma_start3A_42 = arith.constant 0 : i32
    %dma_start3A_43 = tpu.memref_slice %arg5[%add3A_14, %dma_start3A_42] : memref<8192x128xf32, #tpu.memory_space<hbm>> -> memref<128x128xf32, #tpu.memory_space<hbm>>
    %dma_start3A_44 = arith.constant 0 : i32
    %dma_start3A_45 = tpu.memref_slice %arg5[%add3A_14, %dma_start3A_44] : memref<8192x128xf32, #tpu.memory_space<hbm>> -> memref<128x128xf32, #tpu.memory_space<hbm>>
    tpu.enqueue_dma source(%arg7 : memref<128x128xf32, #tpu.memory_space<vmem>>) target(%dma_start3A_45 : memref<128x128xf32, #tpu.memory_space<hbm>>) target_semaphore(%arg11 : memref<!tpu.dma_semaphore, #tpu.memory_space<semaphore_mem>>)
    %dma_wait3A_46 = arith.constant 1 : i32
    %dma_wait3A_47 = arith.constant 0 : i32
    %dma_wait3A_48 = tpu.memref_slice %arg6[%dma_wait3A_46, %dma_wait3A_47] : memref<2x128xi32, #tpu.memory_space<vmem>> -> memref<1x128xi32, #tpu.memory_space<vmem>>
    %dma_wait3A_49 = tpu.memref_squeeze %dma_wait3A_48 : memref<1x128xi32, #tpu.memory_space<vmem>> -> memref<128xi32, #tpu.memory_space<vmem>>
    %dma_wait3A_50 = arith.constant 0 : i32
    %dma_wait3A_51 = arith.constant 0 : i32
    %dma_wait3A_52 = tpu.memref_slice %arg2[%dma_wait3A_50, %dma_wait3A_51] : memref<1000000x128xf32, #tpu.memory_space<hbm>> -> memref<1000000x128xf32, #tpu.memory_space<hbm>>
    tpu.wait_indirect_dma semaphore(%arg10 : memref<!tpu.dma_semaphore, #tpu.memory_space<semaphore_mem>>) src(%dma_wait3A_52 : memref<1000000x128xf32, #tpu.memory_space<hbm>>) dst(%arg8 : memref<128x128xf32, #tpu.memory_space<vmem>>)
    %dma_start3A_53 = arith.constant 0 : i32
    %dma_start3A_54 = tpu.memref_slice %arg5[%add3A_22, %dma_start3A_53] : memref<8192x128xf32, #tpu.memory_space<hbm>> -> memref<128x128xf32, #tpu.memory_space<hbm>>
    %dma_start3A_55 = arith.constant 0 : i32
    %dma_start3A_56 = tpu.memref_slice %arg5[%add3A_22, %dma_start3A_55] : memref<8192x128xf32, #tpu.memory_space<hbm>> -> memref<128x128xf32, #tpu.memory_space<hbm>>
    tpu.enqueue_dma source(%arg8 : memref<128x128xf32, #tpu.memory_space<vmem>>) target(%dma_start3A_56 : memref<128x128xf32, #tpu.memory_space<hbm>>) target_semaphore(%arg12 : memref<!tpu.dma_semaphore, #tpu.memory_space<semaphore_mem>>)
    %dma_wait3A_57 = arith.constant 0 : i32
    %dma_wait3A_58 = tpu.memref_slice %arg5[%add3A_14, %dma_wait3A_57] : memref<8192x128xf32, #tpu.memory_space<hbm>> -> memref<128x128xf32, #tpu.memory_space<hbm>>
    %dma_wait3A_59 = arith.constant 0 : i32
    %dma_wait3A_60 = tpu.memref_slice %arg5[%add3A_14, %dma_wait3A_59] : memref<8192x128xf32, #tpu.memory_space<hbm>> -> memref<128x128xf32, #tpu.memory_space<hbm>>
    tpu.wait_dma2 semaphore(%arg11 : memref<!tpu.dma_semaphore, #tpu.memory_space<semaphore_mem>>) src(%arg7 : memref<128x128xf32, #tpu.memory_space<vmem>>) dst(%dma_wait3A_60 : memref<128x128xf32, #tpu.memory_space<hbm>>)
    %dma_wait3A_61 = arith.constant 0 : i32
    %dma_wait3A_62 = tpu.memref_slice %arg5[%add3A_22, %dma_wait3A_61] : memref<8192x128xf32, #tpu.memory_space<hbm>> -> memref<128x128xf32, #tpu.memory_space<hbm>>
    %dma_wait3A_63 = arith.constant 0 : i32
    %dma_wait3A_64 = tpu.memref_slice %arg5[%add3A_22, %dma_wait3A_63] : memref<8192x128xf32, #tpu.memory_space<hbm>> -> memref<128x128xf32, #tpu.memory_space<hbm>>
    tpu.wait_dma2 semaphore(%arg12 : memref<!tpu.dma_semaphore, #tpu.memory_space<semaphore_mem>>) src(%arg8 : memref<128x128xf32, #tpu.memory_space<vmem>>) dst(%dma_wait3A_64 : memref<128x128xf32, #tpu.memory_space<hbm>>)
    return
  }
}

module attributes {stable_mosaic.version = 14 : i64} {
  func.func @_mlp_alias_body(%arg0: i32, %arg1: memref<1x16384xf32, #tpu.memory_space<any>>, %arg2: memref<4096x128xf32, #tpu.memory_space<vmem>>, %arg3: memref<4096x128xf32, #tpu.memory_space<vmem>>, %arg4: memref<128x128xf32, #tpu.memory_space<vmem>>, %arg5: memref<128x128xf32, #tpu.memory_space<vmem>>, %arg6: memref<1x128xf32, #tpu.memory_space<vmem>>, %arg7: memref<128x64xf32, #tpu.memory_space<vmem>>, %arg8: memref<1x64xf32, #tpu.memory_space<vmem>>, %arg9: memref<1x64xf32, #tpu.memory_space<vmem>>, %arg10: memref<1x1xf32, #tpu.memory_space<vmem>>, %arg11: memref<1x4096xf32, #tpu.memory_space<vmem>>) attributes {dimension_semantics = [#tpu.dimension_semantics<arbitrary>], iteration_bounds = array<i64: 1>, scalar_prefetch = 0 : i64, scratch_operands = 0 : i64, tpu.core_type = #tpu.core_type<tc>, window_params = [{}, {transform_indices = @transform_1, window_bounds = array<i64: 4096, 128>}, {transform_indices = @transform_2, window_bounds = array<i64: 4096, 128>}, {pipeline_mode = #tpu.pipeline_mode<synchronous>, transform_indices = @transform_3, window_bounds = array<i64: 128, 128>}, {pipeline_mode = #tpu.pipeline_mode<synchronous>, transform_indices = @transform_4, window_bounds = array<i64: 128, 128>}, {pipeline_mode = #tpu.pipeline_mode<synchronous>, transform_indices = @transform_5, window_bounds = array<i64: 1, 128>}, {pipeline_mode = #tpu.pipeline_mode<synchronous>, transform_indices = @transform_6, window_bounds = array<i64: 128, 64>}, {pipeline_mode = #tpu.pipeline_mode<synchronous>, transform_indices = @transform_7, window_bounds = array<i64: 1, 64>}, {pipeline_mode = #tpu.pipeline_mode<synchronous>, transform_indices = @transform_8, window_bounds = array<i64: 1, 64>}, {pipeline_mode = #tpu.pipeline_mode<synchronous>, transform_indices = @transform_9, window_bounds = array<i64: 1, 1>}, {transform_indices = @transform_10, window_bounds = array<i64: 1, 4096>}]} {
    %get3A = arith.constant 0 : index
    %get3A_0 = arith.constant 0 : index
    %get3A_1 = vector.load %arg2[%get3A, %get3A_0] : memref<4096x128xf32, #tpu.memory_space<vmem>>, vector<4096x128xf32>
    %get3A_2 = arith.constant 0 : index
    %get3A_3 = arith.constant 0 : index
    %get3A_4 = vector.load %arg4[%get3A_2, %get3A_3] : memref<128x128xf32, #tpu.memory_space<vmem>>, vector<128x128xf32>
    %dot_general3A = arith.constant dense<0.000000e+00> : vector<4096x128xf32>
    %dot_general3A_5 = tpu.matmul %get3A_1, %get3A_4, %dot_general3A {dimension_numbers = #tpu.dot_dimension_numbers<[1], [0], [0], [1], [0, 0, 1, 1], [], []>, transpose_lhs_hint = false} : vector<4096x128xf32>, vector<128x128xf32>, vector<4096x128xf32> -> vector<4096x128xf32>
    %get3A_6 = arith.constant 0 : index
    %get3A_7 = arith.constant 0 : index
    %get3A_8 = vector.load %arg3[%get3A_6, %get3A_7] : memref<4096x128xf32, #tpu.memory_space<vmem>>, vector<4096x128xf32>
    %get3A_9 = arith.constant 0 : index
    %get3A_10 = arith.constant 0 : index
    %get3A_11 = vector.load %arg5[%get3A_9, %get3A_10] : memref<128x128xf32, #tpu.memory_space<vmem>>, vector<128x128xf32>
    %dot_general3A_12 = arith.constant dense<0.000000e+00> : vector<4096x128xf32>
    %dot_general3A_13 = tpu.matmul %get3A_8, %get3A_11, %dot_general3A_12 {dimension_numbers = #tpu.dot_dimension_numbers<[1], [0], [0], [1], [0, 0, 1, 1], [], []>, transpose_lhs_hint = false} : vector<4096x128xf32>, vector<128x128xf32>, vector<4096x128xf32> -> vector<4096x128xf32>
    %add3A = arith.addf %dot_general3A_5, %dot_general3A_13 : vector<4096x128xf32>
    %get3A_14 = arith.constant 0 : index
    %get3A_15 = arith.constant 0 : index
    %get3A_16 = vector.load %arg6[%get3A_14, %get3A_15] : memref<1x128xf32, #tpu.memory_space<vmem>>, vector<1x128xf32>
    %add3A_17 = vector.broadcast %get3A_16 : vector<1x128xf32> to vector<4096x128xf32>
    %add3A_18 = arith.addf %add3A, %add3A_17 : vector<4096x128xf32>
    %max3A = arith.constant 0.000000e+00 : f32
    %max3A_19 = vector.broadcast %max3A : f32 to vector<4096x128xf32>
    %max3A_20 = arith.maximumf %add3A_18, %max3A_19 : vector<4096x128xf32>
    %get3A_21 = arith.constant 0 : index
    %get3A_22 = arith.constant 0 : index
    %get3A_23 = vector.load %arg7[%get3A_21, %get3A_22] : memref<128x64xf32, #tpu.memory_space<vmem>>, vector<128x64xf32>
    %dot_general3A_24 = arith.constant dense<0.000000e+00> : vector<4096x64xf32>
    %dot_general3A_25 = tpu.matmul %max3A_20, %get3A_23, %dot_general3A_24 {dimension_numbers = #tpu.dot_dimension_numbers<[1], [0], [0], [1], [0, 0, 1, 1], [], []>, transpose_lhs_hint = false} : vector<4096x128xf32>, vector<128x64xf32>, vector<4096x64xf32> -> vector<4096x64xf32>
    %get3A_26 = arith.constant 0 : index
    %get3A_27 = arith.constant 0 : index
    %get3A_28 = vector.load %arg8[%get3A_26, %get3A_27] : memref<1x64xf32, #tpu.memory_space<vmem>>, vector<1x64xf32>
    %add3A_29 = vector.broadcast %get3A_28 : vector<1x64xf32> to vector<4096x64xf32>
    %add3A_30 = arith.addf %dot_general3A_25, %add3A_29 : vector<4096x64xf32>
    %max3A_31 = arith.constant 0.000000e+00 : f32
    %max3A_32 = vector.broadcast %max3A_31 : f32 to vector<4096x64xf32>
    %max3A_33 = arith.maximumf %add3A_30, %max3A_32 : vector<4096x64xf32>
    %get3A_34 = arith.constant 0 : index
    %get3A_35 = arith.constant 0 : index
    %get3A_36 = vector.load %arg9[%get3A_34, %get3A_35] : memref<1x64xf32, #tpu.memory_space<vmem>>, vector<1x64xf32>
    %dot_general3A_37 = arith.constant dense<0.000000e+00> : vector<1x4096xf32>
    %dot_general3A_38 = tpu.matmul %get3A_36, %max3A_33, %dot_general3A_37 {dimension_numbers = #tpu.dot_dimension_numbers<[1], [1], [0], [0], [0, 0, 1, 0], [], []>, transpose_lhs_hint = false} : vector<1x64xf32>, vector<4096x64xf32>, vector<1x4096xf32> -> vector<1x4096xf32>
    %get3A_39 = arith.constant 0 : index
    %get3A_40 = arith.constant 0 : index
    %get3A_41 = vector.load %arg10[%get3A_39, %get3A_40] : memref<1x1xf32, #tpu.memory_space<vmem>>, vector<1x1xf32>
    %add3A_42 = vector.broadcast %get3A_41 : vector<1x1xf32> to vector<1x4096xf32>
    %add3A_43 = arith.addf %dot_general3A_38, %add3A_42 : vector<1x4096xf32>
    %neg3A = arith.constant 0.000000e+00 : f32
    %neg3A_44 = vector.broadcast %neg3A : f32 to vector<1x4096xf32>
    %neg3A_45 = arith.subf %neg3A_44, %add3A_43 : vector<1x4096xf32>
    %exp3A = math.exp %neg3A_45 : vector<1x4096xf32>
    %add3A_46 = arith.constant 1.000000e+00 : f32
    %add3A_47 = vector.broadcast %add3A_46 : f32 to vector<1x4096xf32>
    %add3A_48 = arith.addf %add3A_47, %exp3A : vector<1x4096xf32>
    %div3A = arith.constant 1.000000e+00 : f32
    %div3A_49 = vector.broadcast %div3A : f32 to vector<1x4096xf32>
    %div3A_50 = arith.divf %div3A_49, %add3A_48 : vector<1x4096xf32>
    %swap3A = arith.constant 0 : index
    %swap3A_51 = arith.constant 0 : index
    %swap3A_52 = vector.load %arg11[%swap3A, %swap3A_51] : memref<1x4096xf32, #tpu.memory_space<vmem>>, vector<1x4096xf32>
    tpu.vector_store %arg11[%swap3A, %swap3A_51], %div3A_50 {strides = array<i32>} : memref<1x4096xf32, #tpu.memory_space<vmem>>, vector<1x4096xf32>,
    return
  }
  func.func @transform_1(%arg0: i32) -> (i32, i32) {
    %c0_i32 = arith.constant 0 : i32
    %c0_i32_0 = arith.constant 0 : i32
    return %arg0, %c0_i32 : i32, i32
  }
  func.func @transform_2(%arg0: i32) -> (i32, i32) {
    %add3A = arith.constant 1 : i32
    %add3A_0 = arith.addi %arg0, %add3A : i32
    %c0_i32 = arith.constant 0 : i32
    %c0_i32_1 = arith.constant 0 : i32
    return %add3A_0, %c0_i32 : i32, i32
  }
  func.func @transform_3(%arg0: i32) -> (i32, i32) {
    %c0_i32 = arith.constant 0 : i32
    %c0_i32_0 = arith.constant 0 : i32
    %c0_i32_1 = arith.constant 0 : i32
    return %c0_i32, %c0_i32_0 : i32, i32
  }
  func.func @transform_4(%arg0: i32) -> (i32, i32) {
    %c0_i32 = arith.constant 0 : i32
    %c0_i32_0 = arith.constant 0 : i32
    %c0_i32_1 = arith.constant 0 : i32
    return %c0_i32, %c0_i32_0 : i32, i32
  }
  func.func @transform_5(%arg0: i32) -> (i32, i32) {
    %c0_i32 = arith.constant 0 : i32
    %c0_i32_0 = arith.constant 0 : i32
    %c0_i32_1 = arith.constant 0 : i32
    return %c0_i32, %c0_i32_0 : i32, i32
  }
  func.func @transform_6(%arg0: i32) -> (i32, i32) {
    %c0_i32 = arith.constant 0 : i32
    %c0_i32_0 = arith.constant 0 : i32
    %c0_i32_1 = arith.constant 0 : i32
    return %c0_i32, %c0_i32_0 : i32, i32
  }
  func.func @transform_7(%arg0: i32) -> (i32, i32) {
    %c0_i32 = arith.constant 0 : i32
    %c0_i32_0 = arith.constant 0 : i32
    %c0_i32_1 = arith.constant 0 : i32
    return %c0_i32, %c0_i32_0 : i32, i32
  }
  func.func @transform_8(%arg0: i32) -> (i32, i32) {
    %c0_i32 = arith.constant 0 : i32
    %c0_i32_0 = arith.constant 0 : i32
    %c0_i32_1 = arith.constant 0 : i32
    return %c0_i32, %c0_i32_0 : i32, i32
  }
  func.func @transform_9(%arg0: i32) -> (i32, i32) {
    %c0_i32 = arith.constant 0 : i32
    %c0_i32_0 = arith.constant 0 : i32
    %c0_i32_1 = arith.constant 0 : i32
    return %c0_i32, %c0_i32_0 : i32, i32
  }
  func.func @transform_10(%arg0: i32) -> (i32, i32) {
    %add3A = arith.constant 3 : i32
    %add3A_0 = arith.addi %arg0, %add3A : i32
    %c0_i32 = arith.constant 0 : i32
    %c0_i32_1 = arith.constant 0 : i32
    return %c0_i32, %add3A_0 : i32, i32
  }
}

module attributes {stable_mosaic.version = 14 : i64} {
  func.func @_mlp_body(%arg0: i32, %arg1: memref<4096x128xf32, #tpu.memory_space<vmem>>, %arg2: memref<4096x128xf32, #tpu.memory_space<vmem>>, %arg3: memref<128x128xf32, #tpu.memory_space<vmem>>, %arg4: memref<128x128xf32, #tpu.memory_space<vmem>>, %arg5: memref<1x128xf32, #tpu.memory_space<vmem>>, %arg6: memref<128x64xf32, #tpu.memory_space<vmem>>, %arg7: memref<1x64xf32, #tpu.memory_space<vmem>>, %arg8: memref<1x64xf32, #tpu.memory_space<vmem>>, %arg9: memref<1x1xf32, #tpu.memory_space<vmem>>, %arg10: memref<1x4096xf32, #tpu.memory_space<vmem>>) attributes {dimension_semantics = [#tpu.dimension_semantics<arbitrary>], iteration_bounds = array<i64: 3>, scalar_prefetch = 0 : i64, scratch_operands = 0 : i64, tpu.core_type = #tpu.core_type<tc>, window_params = [{transform_indices = @transform_0, window_bounds = array<i64: 4096, 128>}, {transform_indices = @transform_1, window_bounds = array<i64: 4096, 128>}, {pipeline_mode = #tpu.pipeline_mode<synchronous>, transform_indices = @transform_2, window_bounds = array<i64: 128, 128>}, {pipeline_mode = #tpu.pipeline_mode<synchronous>, transform_indices = @transform_3, window_bounds = array<i64: 128, 128>}, {pipeline_mode = #tpu.pipeline_mode<synchronous>, transform_indices = @transform_4, window_bounds = array<i64: 1, 128>}, {pipeline_mode = #tpu.pipeline_mode<synchronous>, transform_indices = @transform_5, window_bounds = array<i64: 128, 64>}, {pipeline_mode = #tpu.pipeline_mode<synchronous>, transform_indices = @transform_6, window_bounds = array<i64: 1, 64>}, {pipeline_mode = #tpu.pipeline_mode<synchronous>, transform_indices = @transform_7, window_bounds = array<i64: 1, 64>}, {pipeline_mode = #tpu.pipeline_mode<synchronous>, transform_indices = @transform_8, window_bounds = array<i64: 1, 1>}, {transform_indices = @transform_9, window_bounds = array<i64: 1, 4096>}]} {
    %get3A = arith.constant 0 : index
    %get3A_0 = arith.constant 0 : index
    %get3A_1 = vector.load %arg1[%get3A, %get3A_0] : memref<4096x128xf32, #tpu.memory_space<vmem>>, vector<4096x128xf32>
    %get3A_2 = arith.constant 0 : index
    %get3A_3 = arith.constant 0 : index
    %get3A_4 = vector.load %arg3[%get3A_2, %get3A_3] : memref<128x128xf32, #tpu.memory_space<vmem>>, vector<128x128xf32>
    %dot_general3A = arith.constant dense<0.000000e+00> : vector<4096x128xf32>
    %dot_general3A_5 = tpu.matmul %get3A_1, %get3A_4, %dot_general3A {dimension_numbers = #tpu.dot_dimension_numbers<[1], [0], [0], [1], [0, 0, 1, 1], [], []>, transpose_lhs_hint = false} : vector<4096x128xf32>, vector<128x128xf32>, vector<4096x128xf32> -> vector<4096x128xf32>
    %get3A_6 = arith.constant 0 : index
    %get3A_7 = arith.constant 0 : index
    %get3A_8 = vector.load %arg2[%get3A_6, %get3A_7] : memref<4096x128xf32, #tpu.memory_space<vmem>>, vector<4096x128xf32>
    %get3A_9 = arith.constant 0 : index
    %get3A_10 = arith.constant 0 : index
    %get3A_11 = vector.load %arg4[%get3A_9, %get3A_10] : memref<128x128xf32, #tpu.memory_space<vmem>>, vector<128x128xf32>
    %dot_general3A_12 = arith.constant dense<0.000000e+00> : vector<4096x128xf32>
    %dot_general3A_13 = tpu.matmul %get3A_8, %get3A_11, %dot_general3A_12 {dimension_numbers = #tpu.dot_dimension_numbers<[1], [0], [0], [1], [0, 0, 1, 1], [], []>, transpose_lhs_hint = false} : vector<4096x128xf32>, vector<128x128xf32>, vector<4096x128xf32> -> vector<4096x128xf32>
    %add3A = arith.addf %dot_general3A_5, %dot_general3A_13 : vector<4096x128xf32>
    %get3A_14 = arith.constant 0 : index
    %get3A_15 = arith.constant 0 : index
    %get3A_16 = vector.load %arg5[%get3A_14, %get3A_15] : memref<1x128xf32, #tpu.memory_space<vmem>>, vector<1x128xf32>
    %add3A_17 = vector.broadcast %get3A_16 : vector<1x128xf32> to vector<4096x128xf32>
    %add3A_18 = arith.addf %add3A, %add3A_17 : vector<4096x128xf32>
    %max3A = arith.constant 0.000000e+00 : f32
    %max3A_19 = vector.broadcast %max3A : f32 to vector<4096x128xf32>
    %max3A_20 = arith.maximumf %add3A_18, %max3A_19 : vector<4096x128xf32>
    %get3A_21 = arith.constant 0 : index
    %get3A_22 = arith.constant 0 : index
    %get3A_23 = vector.load %arg6[%get3A_21, %get3A_22] : memref<128x64xf32, #tpu.memory_space<vmem>>, vector<128x64xf32>
    %dot_general3A_24 = arith.constant dense<0.000000e+00> : vector<4096x64xf32>
    %dot_general3A_25 = tpu.matmul %max3A_20, %get3A_23, %dot_general3A_24 {dimension_numbers = #tpu.dot_dimension_numbers<[1], [0], [0], [1], [0, 0, 1, 1], [], []>, transpose_lhs_hint = false} : vector<4096x128xf32>, vector<128x64xf32>, vector<4096x64xf32> -> vector<4096x64xf32>
    %get3A_26 = arith.constant 0 : index
    %get3A_27 = arith.constant 0 : index
    %get3A_28 = vector.load %arg7[%get3A_26, %get3A_27] : memref<1x64xf32, #tpu.memory_space<vmem>>, vector<1x64xf32>
    %add3A_29 = vector.broadcast %get3A_28 : vector<1x64xf32> to vector<4096x64xf32>
    %add3A_30 = arith.addf %dot_general3A_25, %add3A_29 : vector<4096x64xf32>
    %max3A_31 = arith.constant 0.000000e+00 : f32
    %max3A_32 = vector.broadcast %max3A_31 : f32 to vector<4096x64xf32>
    %max3A_33 = arith.maximumf %add3A_30, %max3A_32 : vector<4096x64xf32>
    %get3A_34 = arith.constant 0 : index
    %get3A_35 = arith.constant 0 : index
    %get3A_36 = vector.load %arg8[%get3A_34, %get3A_35] : memref<1x64xf32, #tpu.memory_space<vmem>>, vector<1x64xf32>
    %dot_general3A_37 = arith.constant dense<0.000000e+00> : vector<1x4096xf32>
    %dot_general3A_38 = tpu.matmul %get3A_36, %max3A_33, %dot_general3A_37 {dimension_numbers = #tpu.dot_dimension_numbers<[1], [1], [0], [0], [0, 0, 1, 0], [], []>, transpose_lhs_hint = false} : vector<1x64xf32>, vector<4096x64xf32>, vector<1x4096xf32> -> vector<1x4096xf32>
    %get3A_39 = arith.constant 0 : index
    %get3A_40 = arith.constant 0 : index
    %get3A_41 = vector.load %arg9[%get3A_39, %get3A_40] : memref<1x1xf32, #tpu.memory_space<vmem>>, vector<1x1xf32>
    %add3A_42 = vector.broadcast %get3A_41 : vector<1x1xf32> to vector<1x4096xf32>
    %add3A_43 = arith.addf %dot_general3A_38, %add3A_42 : vector<1x4096xf32>
    %neg3A = arith.constant 0.000000e+00 : f32
    %neg3A_44 = vector.broadcast %neg3A : f32 to vector<1x4096xf32>
    %neg3A_45 = arith.subf %neg3A_44, %add3A_43 : vector<1x4096xf32>
    %exp3A = math.exp %neg3A_45 : vector<1x4096xf32>
    %add3A_46 = arith.constant 1.000000e+00 : f32
    %add3A_47 = vector.broadcast %add3A_46 : f32 to vector<1x4096xf32>
    %add3A_48 = arith.addf %add3A_47, %exp3A : vector<1x4096xf32>
    %div3A = arith.constant 1.000000e+00 : f32
    %div3A_49 = vector.broadcast %div3A : f32 to vector<1x4096xf32>
    %div3A_50 = arith.divf %div3A_49, %add3A_48 : vector<1x4096xf32>
    %swap3A = arith.constant 0 : index
    %swap3A_51 = arith.constant 0 : index
    %swap3A_52 = vector.load %arg10[%swap3A, %swap3A_51] : memref<1x4096xf32, #tpu.memory_space<vmem>>, vector<1x4096xf32>
    tpu.vector_store %arg10[%swap3A, %swap3A_51], %div3A_50 {strides = array<i32>} : memref<1x4096xf32, #tpu.memory_space<vmem>>, vector<1x4096xf32>,
    return
  }
  func.func @transform_0(%arg0: i32) -> (i32, i32) {
    %c0_i32 = arith.constant 0 : i32
    %c0_i32_0 = arith.constant 0 : i32
    return %arg0, %c0_i32 : i32, i32
  }
  func.func @transform_1(%arg0: i32) -> (i32, i32) {
    %add3A = arith.constant 3 : i32
    %add3A_0 = arith.addi %arg0, %add3A : i32
    %c0_i32 = arith.constant 0 : i32
    %c0_i32_1 = arith.constant 0 : i32
    return %add3A_0, %c0_i32 : i32, i32
  }
  func.func @transform_2(%arg0: i32) -> (i32, i32) {
    %c0_i32 = arith.constant 0 : i32
    %c0_i32_0 = arith.constant 0 : i32
    %c0_i32_1 = arith.constant 0 : i32
    return %c0_i32, %c0_i32_0 : i32, i32
  }
  func.func @transform_3(%arg0: i32) -> (i32, i32) {
    %c0_i32 = arith.constant 0 : i32
    %c0_i32_0 = arith.constant 0 : i32
    %c0_i32_1 = arith.constant 0 : i32
    return %c0_i32, %c0_i32_0 : i32, i32
  }
  func.func @transform_4(%arg0: i32) -> (i32, i32) {
    %c0_i32 = arith.constant 0 : i32
    %c0_i32_0 = arith.constant 0 : i32
    %c0_i32_1 = arith.constant 0 : i32
    return %c0_i32, %c0_i32_0 : i32, i32
  }
  func.func @transform_5(%arg0: i32) -> (i32, i32) {
    %c0_i32 = arith.constant 0 : i32
    %c0_i32_0 = arith.constant 0 : i32
    %c0_i32_1 = arith.constant 0 : i32
    return %c0_i32, %c0_i32_0 : i32, i32
  }
  func.func @transform_6(%arg0: i32) -> (i32, i32) {
    %c0_i32 = arith.constant 0 : i32
    %c0_i32_0 = arith.constant 0 : i32
    %c0_i32_1 = arith.constant 0 : i32
    return %c0_i32, %c0_i32_0 : i32, i32
  }
  func.func @transform_7(%arg0: i32) -> (i32, i32) {
    %c0_i32 = arith.constant 0 : i32
    %c0_i32_0 = arith.constant 0 : i32
    %c0_i32_1 = arith.constant 0 : i32
    return %c0_i32, %c0_i32_0 : i32, i32
  }
  func.func @transform_8(%arg0: i32) -> (i32, i32) {
    %c0_i32 = arith.constant 0 : i32
    %c0_i32_0 = arith.constant 0 : i32
    %c0_i32_1 = arith.constant 0 : i32
    return %c0_i32, %c0_i32_0 : i32, i32
  }
  func.func @transform_9(%arg0: i32) -> (i32, i32) {
    %add3A = arith.constant 0 : i32
    %add3A_0 = arith.addi %arg0, %add3A : i32
    %c0_i32 = arith.constant 0 : i32
    %c0_i32_1 = arith.constant 0 : i32
    return %c0_i32, %add3A_0 : i32, i32
  }
}

</mosaic_0001>

<sc_bundles>
// kernel: kernel.6.cloned.1.call-start
scs
__scs_entry_jumppad:
0x0: {  	(pc) =	sbr.rel $0x88, $3  }
0x1: {  	(tag) =	ssettag $0x0;
	lr =	simm.s32 $0x1  }
0x2: {  	[smem:$0x3F98] =	sst lr;
	_ =	strace $0xD0000000  }
0x3: {  	_ = 	snop  }
0x4: {  	_ = 	snop  }
0x5: {  	_ = 	snop  }
0x6: {  	_ = 	snop  }
0x7: {  	_ = 	snop  }
__scs_overlays_trampoline_lowered:
0x8: {  	[smem:$0x3FA7] =	sst s0  }
0x9: {  	[smem:$0x3FA8] =	sst s1  }
0xa: {  	[smem:$0x3FA9] =	sst s2  }
0xb: {  	[smem:$0x3FAA] =	sst s3  }
0xc: {  	[smem:$0x3FAB] =	sst s4  }
0xd: {  	[smem:$0x3FAC] =	sst s5  }
0xe: {  	[smem:$0x3FAD] =	sst s6  }
0xf: {  	[smem:$0x3FAE] =	sst s7  }
0x10: {  	[smem:$0x3FAF] =	sst s8  }
0x11: {  	[smem:$0x3FB0] =	sst s9;
	s0 =	simm.s32 @!p0 $0x0  }
0x12: {  	s1 =	sld [smem:$0x3F96];
	s0 =	simm.s32 @p0 $0x1  }
0x13: {  	[smem:$0x3FB1] =	sst s0;
	s0 =	simm.s32 @!p1 $0x0  }
0x14: {  	s2 =	sld [smem:$0x3F95];
	s0 =	simm.s32 @p1 $0x1  }
0x15: {  	[smem:$0x3FB2] =	sst s0;
	s0 =	simm.s32 @!p2 $0x0  }
0x16: {  	s3 =	sld [smem:$0x3FDB];
	s0 =	simm.s32 @p2 $0x1  }
0x17: {  	s4 =	simm.s32 $0x1BF5;
	[smem:$0x3FB4] =	sst s0  }
0x18: {  	s0 =	sld [smem:$0x3F97];
	_ =	swait.ge [sflag:s4], $0x0  }
0x19: {  	s7 =	sld [smem:$0x3F98]  }
0x1a: {  	s8 =	sadd.s32 $0xFFFFE003, lr  }
0x1b: {  	s9 =	sadd.s32 $0xFFFFFEF7, lr;
	s5 =	simm.s32 $0xFFFFFFFF;
	p2 =	slt.u32 s8, $0xFFFFF086  }
0x1c: {  	p1 =	slt.u32 s9, $0xF7A;
	s5 =	simm.s32 @!p2 $0x0  }
0x1d: {  	s5 =	simm.s32 @p1 $0x1;
	p0 =	seq.s32 s7, s2  }
0x1e: {  	s7 =	smul.u32 @!p0 $0xF7A, s2;
	p2 =	seq.s32 @!p0 s5, $0x0  }
0x1f: {  	s9 =	smul.u32 $0xF7A, s1;
	s8 =	simm.s32 @!p0 $0x1BF5;
	p2 =	por !p2, p0  }
0x20: {  	[sflag:s8] =	ssyncset.s32 @!p0 $0xFFFFF086;
	s6 =	sadd.s32 @!p0 s3, s7;
	s7 =	simm.s32 @!p0 $0x108  }
0x21: {  	s3 =	sadd.s32 s3, s9;
	s6 =	sadd.s32 @!p0 $0x88, s6;
	s7 =	simm.s32 @p2 $0x1082  }
0x22: {  	[simem:s7], [sflag:s8] =	dma.local @!p0 [hbm:s6], $0xF7A  }
0x23: {  	s9 =	sor.u32 $0xD0000000, s2;
	s6 =	simm.s32 $0x108;
	_ =	swait.ge @!p0 [sflag:s8], $0x0  }
0x24: {  	s3 =	sadd.s32 $0x88, s3;
	s6 =	simm.s32 @!p1 $0x1082;
	[sflag:s4] =	ssyncset.s32 $0xFFFFF086  }
0x25: {  	[simem:s6], [sflag:s4] =	dma.local [hbm:s3], $0xF7A  }
0x26: {  	[smem:$0x3F98] =	sst s1;
	(tag) =	ssettag s2;
	_ =	strace s9  }
0x27: {  	s1 =	sld [smem:$0x3FA8]  }
0x28: {  	s2 =	sld [smem:$0x3FA9]  }
0x29: {  	s4 =	sld [smem:$0x3FAB]  }
0x2a: {  	p0 =	seq.s32 s5, $0x0;
	s5 =	sld [smem:$0x3FAC]  }
0x2b: {  	s6 =	sld [smem:$0x3FAD]  }
0x2c: {  	s7 =	sld [smem:$0x3FAE]  }
0x2d: {  	s3 =	simm.s32 $0x108;
	s8 =	sld [smem:$0x3FAF]  }
0x2e: {  	s3 =	simm.s32 @!p0 $0x1082;
	s9 =	sld [smem:$0x3FB0]  }
0x2f: {  	lr =	sadd.s32 s0, s3;
	s0 =	sld [smem:$0x3FA7]  }
0x30: {  	s3 =	sld [smem:$0x3FAA]  }
0x31: {  	[smem:$0x3FB3] =	sst s10  }
0x32: {  	s10 =	sld [smem:$0x3FB1];
	_ =	sdelay $0x3  }
0x33: {  	p0 =	seq.s32 s10, $0x1;
	s10 =	sld [smem:$0x3FB3];
	_ =	sdelay $0x3  }
0x34: {  	[smem:$0x3FB3] =	sst s10  }
0x35: {  	s10 =	sld [smem:$0x3FB2];
	_ =	sdelay $0x3  }
0x36: {  	p1 =	seq.s32 s10, $0x1;
	s10 =	sld [smem:$0x3FB3];
	_ =	sdelay $0x3  }
0x37: {  	[smem:$0x3FB3] =	sst s10  }
0x38: {  	s10 =	sld [smem:$0x3FB4]  }
0x39: {  	_ = 	snop;
	(pc) =	sbr.ind lr, $3  }
0x3a: {  	_ = 	snop  }
0x3b: {  	_ = 	snop  }
0x3c: {  	p2 =	seq.s32 s10, $0x1;
	s10 =	sld [smem:$0x3FB3]  }
0x3d: {  	_ =	shalt  }
0x3e: {  	_ =	shalt  }
0x3f: {  	_ =	shalt  }
0x40: {  	_ =	shalt  }
0x41: {  	_ =	shalt  }
0x42: {  	_ =	shalt  }
0x43: {  	_ =	shalt  }
0x44: {  	_ =	shalt  }
0x45: {  	_ =	shalt  }
0x46: {  	_ =	shalt  }
0x47: {  	_ =	shalt  }
0x48: {  	_ =	shalt  }
0x49: {  	_ =	shalt  }
0x4a: {  	_ =	shalt  }
0x4b: {  	_ =	shalt  }
0x4c: {  	_ =	shalt  }
0x4d: {  	_ =	shalt  }
0x4e: {  	_ =	shalt  }
0x4f: {  	_ =	shalt  }
0x50: {  	_ =	shalt  }
0x51: {  	_ =	shalt  }
0x52: {  	_ =	shalt  }
0x53: {  	_ =	shalt  }
0x54: {  	_ =	shalt  }
0x55: {  	_ =	shalt  }
0x56: {  	_ =	shalt  }
0x57: {  	_ =	shalt  }
0x58: {  	_ =	shalt  }
0x59: {  	_ =	shalt  }
0x5a: {  	_ =	shalt  }
0x5b: {  	_ =	shalt  }
0x5c: {  	_ =	shalt  }
0x5d: {  	_ =	shalt  }
0x5e: {  	_ =	shalt  }
0x5f: {  	_ =	shalt  }
0x60: {  	_ =	shalt  }
0x61: {  	_ =	shalt  }
0x62: {  	_ =	shalt  }
0x63: {  	_ =	shalt  }
0x64: {  	_ =	shalt  }
0x65: {  	_ =	shalt  }
0x66: {  	_ =	shalt  }
0x67: {  	_ =	shalt  }
0x68: {  	_ =	shalt  }
0x69: {  	_ =	shalt  }
0x6a: {  	_ =	shalt  }
0x6b: {  	_ =	shalt  }
0x6c: {  	_ =	shalt  }
0x6d: {  	_ =	shalt  }
0x6e: {  	_ =	shalt  }
0x6f: {  	_ =	shalt  }
0x70: {  	_ =	shalt  }
0x71: {  	_ =	shalt  }
0x72: {  	_ =	shalt  }
0x73: {  	_ =	shalt  }
0x74: {  	_ =	shalt  }
0x75: {  	_ =	shalt  }
0x76: {  	_ =	shalt  }
0x77: {  	_ =	shalt  }
0x78: {  	_ =	shalt  }
0x79: {  	_ =	shalt  }
0x7a: {  	_ =	shalt  }
0x7b: {  	_ =	shalt  }
0x7c: {  	_ =	shalt  }
0x7d: {  	_ =	shalt  }
0x7e: {  	_ =	shalt  }
0x7f: {  	_ =	shalt  }
0x80: {  	_ =	shalt  }
0x81: {  	_ =	shalt  }
0x82: {  	_ =	shalt  }
0x83: {  	_ =	shalt  }
0x84: {  	_ =	shalt  }
0x85: {  	_ =	shalt  }
0x86: {  	_ =	shalt  }
0x87: {  	_ =	shalt  }
.Lfunc_end0:
.L_simem_size_0:
called_computation_lowered:
.L_overlay_start_0:
0x88: {  	s2 =	sld [smem:$0x3FD9]  }
0x89: {  	s3 =	sld [smem:$0x3FFE];
	_ =	sdelay $0x1  }
0x8a: {  	s1 =	srdreg.scid  }
0x8b: {  	s0 =	sand.u32 $0x1, s1  }
0x8c: {  	s17 =	sshll.u32 s0, $0xA;
	s2 =	sadd.s32 s3, s2  }
0x8d: {  	s2 =	sadd.s32 s2, s17  }
0x8e: {  	[smem:$0x3FBF] =	sst s2  }
0x8f: {  	_ = 	snop  }
0x90: {  	s2 =	sld [smem:$0x3FC9]  }
0x91: {  	s18 =	sld [smem:$0x3FC8]  }
0x92: {  	s4 =	sld [smem:$0x3FC7];
	(tm) =	ssettm $0x1  }
0x93: {  	s5 =	sld [smem:$0x3FFB];
	_ =	sdelay $0x3  }
0x94: {  	_ =	strace s5  }
0x95: {  	s5 =	sld [smem:$0x3FFC];
	_ =	sdelay $0x3  }
0x96: {  	_ =	strace s5  }
0x97: {  	s5 =	sld [smem:$0x3FFD];
	_ =	sdelay $0x3  }
0x98: {  	_ =	strace s5  }
0x99: {  	_ =	strace $0x8FFFFFFF  }
0x9a: {  	s19 =	sld [smem:$0x3FDB];
	_ =	sdelay $0x1  }
0x9b: {  	s6 =	simm.s32 $_scs_section_size  }
0x9c: {  	s7 =	simm.s32 $_size__tile_overlayer_lowered;
	s8 =	simm.s32 $_tile_overlayer_lowered  }
0x9d: {  	s22 =	simm.s32 $0x1BFF;
	s21 =	sshll.u32 s8, $0x1;
	s5 =	sadd.s32 s6, s19  }
0x9e: {  	s9 =	simm.s32 $0x0;
	s20 =	sshll.u32 s7, $0x1;
	s7 =	sadd.s32 s21, s5  }
0x9f: {  	[timem:s9], [sflag:s22] =	dma.local [hbm:s7], s20  }
0xa0: {  	_ =	swait.ge [sflag:s22], s20  }
0xa1: {  	s6 =	ssub.s32 $0x0, s20;
	[sflag:s22] =	ssyncset.done $0x0  }
0xa2: {  	[sflag:s22] =	ssyncadd.s32 s6;
	_ =	sdelay $0x1  }
0xa3: {  	s23 =	simm.s32 $0x1B8B  }
0xa4: {  	_ =	swait.ge [sflag:s23], $0x1  }
0xa5: {  	[sflag:s23] =	ssyncset.done $0x0  }
0xa6: {  	s25 =	simm.s32 $0x1B8E;
	s24 =	sld [smem:$0x3FFE];
	[sflag:s23] =	ssyncadd.s32 $0xFFFFFFFF  }
0xa7: {  	s26 =	simm.s32 $execute0_lowered;
	[smem:$0x3FD2] =	sst s25  }
0xa8: {  	s7 =	sshll.u32 s26, $0x1;
	_ =	strace $0x80000046;
	[dreg:$0x1] =	wrdreg $0xFFFFFFFF  }
0xa9: {  	s28 =	simm.s32 $_size_execute0_lowered;
	s5 =	sadd.s32 s5, s7;
	[dreg:$0x0] =	wrdreg $0x0  }
0xaa: {  	s7 =	sshll.u32 s28, $0x1;
	[dreg:$0x2] =	wrdreg s5  }
0xab: {  	[dreg:$0x3] =	wrdreg s7  }
0xac: {  	[dreg:$0x4] =	wrdreg $0xC0  }
0xad: {  	_ =	task [dreg:s9], $0x5FFFF  }
0xae: {  	[dreg:$0x1] =	wrdreg $0xFFFFFFFF  }
0xaf: {  	[dreg:$0x0] =	wrdreg $0x60  }
0xb0: {  	[dreg:$0x2] =	wrdreg s4  }
0xb1: {  	[dreg:$0x3] =	wrdreg s2  }
0xb2: {  	[dreg:$0x4] =	wrdreg s18  }
0xb3: {  	[dreg:$0x5] =	wrdreg s24  }
0xb4: {  	[dreg:$0x6] =	wrdreg $0x9  }
0xb5: {  	_ =	task.clear_ibuf [dreg:s9], $0x7FFFF;
	_ =	strace $0x90000046  }
0xb6: {  	s29 =	simm.s32 $0x9;
	_ =	strace $0x80000048  }
0xb7: {  	_ =	swait.ge [sflag:s29], $0x1  }
0xb8: {  	[sflag:s29] =	ssyncadd.s32 $0xFFFFFFFF  }
0xb9: {  	_ =	strace $0x90000048  }
0xba: {  	_ =	sfence  }
0xbb: {  	s30 =	sld [smem:$0x0];
	_ =	sdelay $0x2  }
0xbc: {  	s31 =	sshll.u32 s1, $0xD;
	s1 =	sshrl.u32 s1, $0x2  }
0xbd: {  	s3 =	sand.u32 $0x4000, s31;
	s1 =	sadd.s32 s1, s30  }
0xbe: {  	s0 =	sor.u32 s3, s0;
	s1 =	sshll.u32 s1, $0x11  }
0xbf: {  	s0 =	sor.u32 s1, s0  }
0xc0: {  	s0 =	sadd.s32 $0x8F2B, s0  }
0xc1: {  	[sflag:s0] =	ssyncadd.remote.s32 $0x1  }
0xc2: {  	_ =	sfence.sel $0xFFFF  }
0xc3: {  	[dreg:$0x0] =	wrdreg $0xFFFFFFFF;
	(pc) =	sbr.abs _section_cstart, $3  }
0xc4: {  	[dreg:$0x1] =	wrdreg $0xFFFFFFFF  }
0xc5: {  	_ =	task.clear_ibuf [dreg:s9], $0x2FFFF;
	_ =	strace $0x9FFFFFFF  }
0xc6: {  	(tm) =	ssettm $0x7FFFFFFF  }
0xc7: {  	_ =	shalt  }
tec
execute0_lowered:
.L_overlay_start_1:
0x0: {  	(tag) =	ssettag $0x1  }
0x1: {  	s3 =	rddreg [dreg:$0x0]  }
0x2: {  	s1 =	rddreg [dreg:$0x1]  }
0x3: {  	s0 =	srdreg.scid;
	s4 =	rddreg [dreg:$0x2]  }
0x4: {  	s2 =	stileid.u32;
	s6 =	rddreg [dreg:$0x3];
	s29 =	simm.s32 $0xD  }
0x5: {  	s30 =	simm.s32 $0x100;
	s28 =	simm.s32 $0x280;
	s14 =	simm.s32 $0xC400  }
0x6: {  	s11 =	simm.s32 $0x10400;
	s31 =	simm.s32 $0x1;
	s15 =	simm.s32 $0x6  }
0x7: {  	p0 =	por $0x0, $0x0;
	s0 =	sand.u32 $0x1, s0;
	s2 =	sshll.u32 s2, $0x1  }
0x8: {  	s16 =	simm.s32 $0x7;
	s13 =	simm.s32 $0x8;
	s5 =	sor.u32 s0, s2  }
0x9: {  	s12 =	simm.s32 $0x9;
	s10 =	simm.s32 $0xA;
	s7 =	smul.u32 $0x30, s5  }
0xa: {  	s6 =	sadd.s32 $0x1800, s6;
	s2 =	simm.s32 $0x0;
	s8 =	smul.u32 $0x180, s5  }
0xb: {  	s0 =	ssub.s32 $0x2, s0;
	[smem:$0x7FF] =	sst s2;
	s20 =	smul.u32 $0xC000, s5  }
0xc: {  	s5 =	smul.u32 $0x1800, s5;
	s24 =	sshrl.u32 s0, $0x1;
	_ =	strace $0x80000047  }
0xd: {  	s0 =	ssub.s32 s0, s24;
	s24 =	simm.s32 $0x180;
	s9 =	sadd.s32 s1, s7  }
0xe: {  	s8 =	sshrl.u32 s8, $0x3;
	s7 =	sadd.s32 s4, s7;
	s22 =	sshrl.u32 s20, $0x3  }
0xf: {  	s23 =	sadd.s32 s6, s5;
	s0 =	smax.u32 s0, $0x1;
	[dreg:$0x5] =	wrdreg s9  }
0x10: {  	s20 =	simm.s32 $0x4;
	s17 =	sadd.s32 $0x10, s8;
	[dreg:$0x6] =	wrdreg s7  }
0x11: {  	s8 =	sadd.s32 $0x20, s8;
	[dreg:$0xb] =	wrdreg s23;
	s23 =	simm.s32 $0x80  }
0x12: {  	s9 =	simm.s32 $0x14400;
	p1 =	sne.s32 s0, $0x1;
	s18 =	sadd.s32 s1, s17  }
0x13: {  	s7 =	simm.s32 $0xC;
	s19 =	sadd.s32 s4, s17;
	[dreg:$0x7] =	wrdreg s18  }
0x14: {  	s1 =	sadd.s32 s1, s8;
	s21 =	sadd.s32 s4, s8;
	[dreg:$0x8] =	wrdreg s19  }
0x15: {  	s4 =	sadd.s32 s6, s22;
	s22 =	simm.s32 $0x400;
	[dreg:$0x9] =	wrdreg s1  }
0x16: {  	s17 =	simm.s32 $0x8400;
	s8 =	simm.s32 $0xB;
	[dreg:$0xa] =	wrdreg s21  }
.Ltmp0:
0x17: {  	s25 =	sadd.s32 $0x800, s4;
	s26 =	sadd.s32 $0x1000, s4;
	(pc) =	sbr.rel @!p1 .LBB2_3-.Ltmp0, $4  }
0x18: {  	s6 =	sadd.s32 $0x30000, s4;
	s5 =	sadd.s32 $0x30800, s4;
	s4 =	sadd.s32 $0x31000, s4  }
0x19: {  	s19 =	simm.s32 $0x4400;
	s1 =	sadd.s32 $0xFFFFFFFF, s0;
	s0 =	rddreg [dreg:$0x5]  }
0x1a: {  	s21 =	simm.s32 $0x3;
	s18 =	simm.s32 $0x5;
	[dreg:$0xc] =	wrdreg s25  }
0x1b: {  	[dreg:$0xd] =	wrdreg s26;
	s25 =	simm.s32 $0x200;
	s26 =	simm.s32 $0x2  }
0x1c: {  	[tilespmem:s2], [sflag:$0xD] =	stream.linear.gather [hbm4b:s0+s2], $0x80, $0x38;
	[tilespmem:$0x18400] =	vst v63  }
0x1d: {  	_ =	swait.ge [sflag:s29], $0x80  }
0x1e: {  	[sflag:s29] =	ssyncset.done $0x0  }
0x1f: {  	s0 =	rddreg [dreg:$0x6];
	[sflag:s29] =	ssyncadd.s32 $0xFFFFFF80  }
0x20: {  	[tilespmem:s24], [sflag:$0xD] =	stream.linear.gather [hbm4b:s0+s2], $0x80, $0x38;
	[tilespmem:$0x18400] =	vst v63  }
0x21: {  	_ =	swait.ge [sflag:s29], $0x80  }
0x22: {  	[sflag:s29] =	ssyncset.done $0x0  }
0x23: {  	s0 =	rddreg [dreg:$0x7];
	[sflag:s29] =	ssyncadd.s32 $0xFFFFFF80  }
0x24: {  	[tilespmem:s23], [sflag:$0xD] =	stream.linear.gather [hbm4b:s0+s2], $0x80, $0x38;
	[tilespmem:$0x18400] =	vst v63  }
0x25: {  	_ =	swait.ge [sflag:s29], $0x80  }
0x26: {  	[sflag:s29] =	ssyncset.done $0x0  }
0x27: {  	s0 =	rddreg [dreg:$0x8];
	[sflag:s29] =	ssyncadd.s32 $0xFFFFFF80  }
0x28: {  	[tilespmem:s25], [sflag:$0xD] =	stream.linear.gather [hbm4b:s0+s2], $0x80, $0x38;
	[tilespmem:$0x18400] =	vst v63  }
0x29: {  	_ =	swait.ge [sflag:s29], $0x80  }
0x2a: {  	[sflag:s29] =	ssyncset.done $0x0  }
0x2b: {  	s0 =	rddreg [dreg:$0x9];
	[sflag:s29] =	ssyncadd.s32 $0xFFFFFF80  }
0x2c: {  	[tilespmem:s30], [sflag:$0xD] =	stream.linear.gather [hbm4b:s0+s2], $0x80, $0x38;
	[tilespmem:$0x18400] =	vst v63  }
0x2d: {  	_ =	swait.ge [sflag:s29], $0x80  }
0x2e: {  	[sflag:s29] =	ssyncset.done $0x0  }
0x2f: {  	s0 =	rddreg [dreg:$0xa];
	[sflag:s29] =	ssyncadd.s32 $0xFFFFFF80  }
0x30: {  	[tilespmem:s28], [sflag:$0xD] =	stream.linear.gather [hbm4b:s0+s2], $0x80, $0x38;
	[tilespmem:$0x18400] =	vst v63  }
0x31: {  	_ =	swait.ge [sflag:s29], $0x80  }
0x32: {  	[sflag:s29] =	ssyncset.done $0x0  }
0x33: {  	[sflag:s29] =	ssyncadd.s32 $0xFFFFFF80  }
0x34: {  	[tilespmem:s22], [sflag:$0x1] =	stream.indirect.gather [hbm4b:s3+s23], $0x80, s2, s23, $0xb8;
	[tilespmem:$0x18400] =	vst v63  }
0x35: {  	_ = 	snop  }
0x36: {  	[tilespmem:s19], [sflag:$0x2] =	stream.indirect.gather [hbm4b:s3+s23], $0x80, s23, s23, $0xb8;
	[tilespmem:$0x18400] =	vst v63  }
0x37: {  	_ = 	snop  }
0x38: {  	[tilespmem:s17], [sflag:$0x3] =	stream.indirect.gather [hbm4b:s3+s23], $0x80, s30, s23, $0xb8;
	[tilespmem:$0x18400] =	vst v63  }
0x39: {  	_ = 	snop  }
0x3a: {  	[tilespmem:s14], [sflag:$0x4] =	stream.indirect.gather [hbm4b:s3+s23], $0x80, s24, s23, $0xb8;
	[tilespmem:$0x18400] =	vst v63  }
0x3b: {  	_ = 	snop  }
0x3c: {  	[tilespmem:s11], [sflag:$0x5] =	stream.indirect.gather [hbm4b:s3+s23], $0x80, s25, s23, $0xb8;
	[tilespmem:$0x18400] =	vst v63  }
0x3d: {  	_ = 	snop  }
0x3e: {  	[tilespmem:s9], [sflag:$0x6] =	stream.indirect.gather [hbm4b:s3+s23], $0x80, s28, s23, $0xb8;
	[tilespmem:$0x18400] =	vst v63  }
0x3f: {  	_ =	swait.ge [sflag:s31], $0x4000  }
0x40: {  	[sflag:s31] =	ssyncset.done $0x0  }
0x41: {  	s0 =	rddreg [dreg:$0xb];
	[sflag:s31] =	ssyncadd.s32 $0xFFFFC000  }
0x42: {  	[hbm4b:s0+s2] =	stream.linear.scatter [tilespmem:s22], [sflag:$0x7], $0x4000, $0x38;
	[tilespmem:$0x18400] =	vst v63  }
0x43: {  	_ =	swait.ge [sflag:s26], $0x4000  }
0x44: {  	[sflag:s26] =	ssyncset.done $0x0  }
0x45: {  	s0 =	rddreg [dreg:$0xc];
	[sflag:s26] =	ssyncadd.s32 $0xFFFFC000  }
0x46: {  	[hbm4b:s0+s2] =	stream.linear.scatter [tilespmem:s19], [sflag:$0x8], $0x4000, $0x38;
	[tilespmem:$0x18400] =	vst v63  }
0x47: {  	_ =	swait.ge [sflag:s21], $0x4000  }
0x48: {  	[sflag:s21] =	ssyncset.done $0x0  }
0x49: {  	s0 =	rddreg [dreg:$0xd];
	[sflag:s21] =	ssyncadd.s32 $0xFFFFC000  }
0x4a: {  	[hbm4b:s0+s2] =	stream.linear.scatter [tilespmem:s17], [sflag:$0x9], $0x4000, $0x38;
	[tilespmem:$0x18400] =	vst v63  }
0x4b: {  	_ =	swait.ge [sflag:s20], $0x4000  }
0x4c: {  	[sflag:s20] =	ssyncset.done $0x0  }
0x4d: {  	[sflag:s20] =	ssyncadd.s32 $0xFFFFC000  }
0x4e: {  	[hbm4b:s6+s2] =	stream.linear.scatter [tilespmem:s14], [sflag:$0xA], $0x4000, $0x38;
	[tilespmem:$0x18400] =	vst v63  }
0x4f: {  	_ =	swait.ge [sflag:s18], $0x4000  }
0x50: {  	[sflag:s18] =	ssyncset.done $0x0  }
0x51: {  	[sflag:s18] =	ssyncadd.s32 $0xFFFFC000  }
0x52: {  	[hbm4b:s5+s2] =	stream.linear.scatter [tilespmem:s11], [sflag:$0xB], $0x4000, $0x38;
	[tilespmem:$0x18400] =	vst v63  }
0x53: {  	_ =	swait.ge [sflag:s15], $0x4000  }
0x54: {  	[sflag:s15] =	ssyncset.done $0x0  }
0x55: {  	[sflag:s15] =	ssyncadd.s32 $0xFFFFC000  }
0x56: {  	[hbm4b:s4+s2] =	stream.linear.scatter [tilespmem:s9], [sflag:$0xC], $0x4000, $0x38;
	[tilespmem:$0x18400] =	vst v63  }
0x57: {  	_ =	swait.ge [sflag:s16], $0x4000  }
0x58: {  	[sflag:s16] =	ssyncset.done $0x0  }
0x59: {  	[sflag:s16] =	ssyncadd.s32 $0xFFFFC000  }
0x5a: {  	_ =	swait.ge [sflag:s13], $0x4000  }
0x5b: {  	[sflag:s13] =	ssyncset.done $0x0  }
0x5c: {  	[sflag:s13] =	ssyncadd.s32 $0xFFFFC000  }
0x5d: {  	_ =	swait.ge [sflag:s12], $0x4000  }
0x5e: {  	[sflag:s12] =	ssyncset.done $0x0  }
0x5f: {  	[sflag:s12] =	ssyncadd.s32 $0xFFFFC000  }
0x60: {  	_ =	swait.ge [sflag:s10], $0x4000  }
0x61: {  	[sflag:s10] =	ssyncset.done $0x0  }
0x62: {  	p1 =	sne.s32 s1, $0x1;
	[sflag:s10] =	ssyncadd.s32 $0xFFFFC000  }
.Ltmp1:
0x63: {  	_ =	swait.ge [sflag:s8], $0x4000;
	(pc) =	sbr.rel @!p1 .LBB2_3-.Ltmp1, $4  }
0x64: {  	[sflag:s8] =	ssyncset.done $0x0  }
0x65: {  	[sflag:s8] =	ssyncadd.s32 $0xFFFFC000  }
0x66: {  	s1 =	sadd.s32 $0xFFFFFFFF, s1;
	_ =	swait.ge [sflag:s7], $0x4000  }
0x67: {  	p0 =	por $0x1, $0x1;
	s0 =	rddreg [dreg:$0x5];
	[sflag:s7] =	ssyncset.done $0x0  }
.LBB2_2:
0x68: {  	[sflag:s7] =	ssyncadd.s32 $0xFFFFC000  }
0x69: {  	[tilespmem:s2], [sflag:$0xD] =	stream.linear.gather [hbm4b:s0+s2], $0x80, $0x38;
	[tilespmem:$0x18400] =	vst v63  }
0x6a: {  	_ =	swait.ge [sflag:s29], $0x80  }
0x6b: {  	[sflag:s29] =	ssyncset.done $0x0  }
0x6c: {  	s0 =	rddreg [dreg:$0x6];
	[sflag:s29] =	ssyncadd.s32 $0xFFFFFF80  }
0x6d: {  	[tilespmem:s24], [sflag:$0xD] =	stream.linear.gather [hbm4b:s0+s2], $0x80, $0x38;
	[tilespmem:$0x18400] =	vst v63  }
0x6e: {  	_ =	swait.ge [sflag:s29], $0x80  }
0x6f: {  	[sflag:s29] =	ssyncset.done $0x0  }
0x70: {  	s0 =	rddreg [dreg:$0x7];
	[sflag:s29] =	ssyncadd.s32 $0xFFFFFF80  }
0x71: {  	[tilespmem:s23], [sflag:$0xD] =	stream.linear.gather [hbm4b:s0+s2], $0x80, $0x38;
	[tilespmem:$0x18400] =	vst v63  }
0x72: {  	_ =	swait.ge [sflag:s29], $0x80  }
0x73: {  	[sflag:s29] =	ssyncset.done $0x0  }
0x74: {  	s0 =	rddreg [dreg:$0x8];
	[sflag:s29] =	ssyncadd.s32 $0xFFFFFF80  }
0x75: {  	[tilespmem:s25], [sflag:$0xD] =	stream.linear.gather [hbm4b:s0+s2], $0x80, $0x38;
	[tilespmem:$0x18400] =	vst v63  }
0x76: {  	_ =	swait.ge [sflag:s29], $0x80  }
0x77: {  	[sflag:s29] =	ssyncset.done $0x0  }
0x78: {  	s0 =	rddreg [dreg:$0x9];
	[sflag:s29] =	ssyncadd.s32 $0xFFFFFF80  }
0x79: {  	[tilespmem:s30], [sflag:$0xD] =	stream.linear.gather [hbm4b:s0+s2], $0x80, $0x38;
	[tilespmem:$0x18400] =	vst v63  }
0x7a: {  	_ =	swait.ge [sflag:s29], $0x80  }
0x7b: {  	[sflag:s29] =	ssyncset.done $0x0  }
0x7c: {  	s0 =	rddreg [dreg:$0xa];
	[sflag:s29] =	ssyncadd.s32 $0xFFFFFF80  }
0x7d: {  	[tilespmem:s28], [sflag:$0xD] =	stream.linear.gather [hbm4b:s0+s2], $0x80, $0x38;
	[tilespmem:$0x18400] =	vst v63  }
0x7e: {  	_ =	swait.ge [sflag:s29], $0x80  }
0x7f: {  	[sflag:s29] =	ssyncset.done $0x0  }
0x80: {  	[sflag:s29] =	ssyncadd.s32 $0xFFFFFF80  }
0x81: {  	[tilespmem:s22], [sflag:$0x1] =	stream.indirect.gather [hbm4b:s3+s23], $0x80, s2, s23, $0xb8;
	[tilespmem:$0x18400] =	vst v63  }
0x82: {  	_ = 	snop  }
0x83: {  	[tilespmem:s19], [sflag:$0x2] =	stream.indirect.gather [hbm4b:s3+s23], $0x80, s23, s23, $0xb8;
	[tilespmem:$0x18400] =	vst v63  }
0x84: {  	_ = 	snop  }
0x85: {  	[tilespmem:s17], [sflag:$0x3] =	stream.indirect.gather [hbm4b:s3+s23], $0x80, s30, s23, $0xb8;
	[tilespmem:$0x18400] =	vst v63  }
0x86: {  	_ = 	snop  }
0x87: {  	[tilespmem:s14], [sflag:$0x4] =	stream.indirect.gather [hbm4b:s3+s23], $0x80, s24, s23, $0xb8;
	[tilespmem:$0x18400] =	vst v63  }
0x88: {  	_ = 	snop  }
0x89: {  	[tilespmem:s11], [sflag:$0x5] =	stream.indirect.gather [hbm4b:s3+s23], $0x80, s25, s23, $0xb8;
	[tilespmem:$0x18400] =	vst v63  }
0x8a: {  	_ = 	snop  }
0x8b: {  	[tilespmem:s9], [sflag:$0x6] =	stream.indirect.gather [hbm4b:s3+s23], $0x80, s28, s23, $0xb8;
	[tilespmem:$0x18400] =	vst v63  }
0x8c: {  	_ =	swait.ge [sflag:s31], $0x4000  }
0x8d: {  	[sflag:s31] =	ssyncset.done $0x0  }
0x8e: {  	s0 =	rddreg [dreg:$0xb];
	[sflag:s31] =	ssyncadd.s32 $0xFFFFC000  }
0x8f: {  	[hbm4b:s0+s2] =	stream.linear.scatter [tilespmem:s22], [sflag:$0x7], $0x4000, $0x38;
	[tilespmem:$0x18400] =	vst v63  }
0x90: {  	_ =	swait.ge [sflag:s26], $0x4000  }
0x91: {  	[sflag:s26] =	ssyncset.done $0x0  }
0x92: {  	s0 =	rddreg [dreg:$0xc];
	[sflag:s26] =	ssyncadd.s32 $0xFFFFC000  }
0x93: {  	[hbm4b:s0+s2] =	stream.linear.scatter [tilespmem:s19], [sflag:$0x8], $0x4000, $0x38;
	[tilespmem:$0x18400] =	vst v63  }
0x94: {  	_ =	swait.ge [sflag:s21], $0x4000  }
0x95: {  	[sflag:s21] =	ssyncset.done $0x0  }
0x96: {  	s0 =	rddreg [dreg:$0xd];
	[sflag:s21] =	ssyncadd.s32 $0xFFFFC000  }
0x97: {  	[hbm4b:s0+s2] =	stream.linear.scatter [tilespmem:s17], [sflag:$0x9], $0x4000, $0x38;
	[tilespmem:$0x18400] =	vst v63  }
0x98: {  	_ =	swait.ge [sflag:s20], $0x4000  }
0x99: {  	[sflag:s20] =	ssyncset.done $0x0  }
0x9a: {  	[sflag:s20] =	ssyncadd.s32 $0xFFFFC000  }
0x9b: {  	[hbm4b:s6+s2] =	stream.linear.scatter [tilespmem:s14], [sflag:$0xA], $0x4000, $0x38;
	[tilespmem:$0x18400] =	vst v63  }
0x9c: {  	_ =	swait.ge [sflag:s18], $0x4000  }
0x9d: {  	[sflag:s18] =	ssyncset.done $0x0  }
0x9e: {  	[sflag:s18] =	ssyncadd.s32 $0xFFFFC000  }
0x9f: {  	[hbm4b:s5+s2] =	stream.linear.scatter [tilespmem:s11], [sflag:$0xB], $0x4000, $0x38;
	[tilespmem:$0x18400] =	vst v63  }
0xa0: {  	_ =	swait.ge [sflag:s15], $0x4000  }
0xa1: {  	[sflag:s15] =	ssyncset.done $0x0  }
0xa2: {  	[sflag:s15] =	ssyncadd.s32 $0xFFFFC000  }
0xa3: {  	[hbm4b:s4+s2] =	stream.linear.scatter [tilespmem:s9], [sflag:$0xC], $0x4000, $0x38;
	[tilespmem:$0x18400] =	vst v63  }
0xa4: {  	_ =	swait.ge [sflag:s16], $0x4000  }
0xa5: {  	[sflag:s16] =	ssyncset.done $0x0  }
0xa6: {  	[sflag:s16] =	ssyncadd.s32 $0xFFFFC000  }
0xa7: {  	_ =	swait.ge [sflag:s13], $0x4000  }
0xa8: {  	[sflag:s13] =	ssyncset.done $0x0  }
0xa9: {  	[sflag:s13] =	ssyncadd.s32 $0xFFFFC000  }
0xaa: {  	_ =	swait.ge [sflag:s12], $0x4000  }
0xab: {  	[sflag:s12] =	ssyncset.done $0x0  }
0xac: {  	[sflag:s12] =	ssyncadd.s32 $0xFFFFC000  }
0xad: {  	_ =	swait.ge [sflag:s10], $0x4000  }
0xae: {  	[sflag:s10] =	ssyncset.done $0x0  }
0xaf: {  	p1 =	sne.s32 s1, $0x1;
	[sflag:s10] =	ssyncadd.s32 $0xFFFFC000  }
.Ltmp2:
0xb0: {  	_ =	swait.ge [sflag:s8], $0x4000;
	(pc) =	sbr.rel @p1 .LBB2_2-.Ltmp2, $4  }
0xb1: {  	[sflag:s8] =	ssyncset.done $0x0  }
0xb2: {  	[sflag:s8] =	ssyncadd.s32 $0xFFFFC000  }
0xb3: {  	_ =	swait.ge [sflag:s7], $0x4000  }
0xb4: {  	s1 =	sadd.s32 $0xFFFFFFFF, s1;
	s0 =	rddreg [dreg:$0x5];
	[sflag:s7] =	ssyncset.done $0x0  }
.LBB2_3:
0xb5: {  	[sflag:s7] =	ssyncadd.s32 @p0 $0xFFFFC000  }
0xb6: {  	[tilespmem:s2], [sflag:$0xD] =	stream.linear.gather [hbm4b:s0+s2], $0x80, $0x38;
	[tilespmem:$0x18400] =	vst v63  }
0xb7: {  	_ =	swait.ge [sflag:s29], $0x80  }
0xb8: {  	[sflag:s29] =	ssyncset.done $0x0  }
0xb9: {  	s1 =	rddreg [dreg:$0x6];
	[sflag:s29] =	ssyncadd.s32 $0xFFFFFF80  }
0xba: {  	[tilespmem:s24], [sflag:$0xD] =	stream.linear.gather [hbm4b:s1+s2], $0x80, $0x38;
	[tilespmem:$0x18400] =	vst v63  }
0xbb: {  	_ =	swait.ge [sflag:s29], $0x80  }
0xbc: {  	[sflag:s29] =	ssyncset.done $0x0  }
0xbd: {  	s1 =	rddreg [dreg:$0x7];
	[sflag:s29] =	ssyncadd.s32 $0xFFFFFF80  }
0xbe: {  	[tilespmem:s23], [sflag:$0xD] =	stream.linear.gather [hbm4b:s1+s2], $0x80, $0x38;
	[tilespmem:$0x18400] =	vst v63  }
0xbf: {  	_ =	swait.ge [sflag:s29], $0x80  }
0xc0: {  	[sflag:s29] =	ssyncset.done $0x0  }
0xc1: {  	s1 =	rddreg [dreg:$0x8];
	[sflag:s29] =	ssyncadd.s32 $0xFFFFFF80  }
0xc2: {  	[tilespmem:s25], [sflag:$0xD] =	stream.linear.gather [hbm4b:s1+s2], $0x80, $0x38;
	[tilespmem:$0x18400] =	vst v63  }
0xc3: {  	_ =	swait.ge [sflag:s29], $0x80  }
0xc4: {  	[sflag:s29] =	ssyncset.done $0x0  }
0xc5: {  	s1 =	rddreg [dreg:$0x9];
	[sflag:s29] =	ssyncadd.s32 $0xFFFFFF80  }
0xc6: {  	[tilespmem:s30], [sflag:$0xD] =	stream.linear.gather [hbm4b:s1+s2], $0x80, $0x38;
	[tilespmem:$0x18400] =	vst v63  }
0xc7: {  	_ =	swait.ge [sflag:s29], $0x80  }
0xc8: {  	[sflag:s29] =	ssyncset.done $0x0  }
0xc9: {  	s1 =	rddreg [dreg:$0xa];
	[sflag:s29] =	ssyncadd.s32 $0xFFFFFF80  }
0xca: {  	[tilespmem:s28], [sflag:$0xD] =	stream.linear.gather [hbm4b:s1+s2], $0x80, $0x38;
	[tilespmem:$0x18400] =	vst v63  }
0xcb: {  	_ =	swait.ge [sflag:s29], $0x80  }
0xcc: {  	[sflag:s29] =	ssyncset.done $0x0  }
0xcd: {  	[sflag:s29] =	ssyncadd.s32 $0xFFFFFF80  }
0xce: {  	[tilespmem:s22], [sflag:$0x1] =	stream.indirect.gather [hbm4b:s3+s23], $0x80, s2, s23, $0xb8;
	[tilespmem:$0x18400] =	vst v63  }
0xcf: {  	_ = 	snop  }
0xd0: {  	[tilespmem:s19], [sflag:$0x2] =	stream.indirect.gather [hbm4b:s3+s23], $0x80, s23, s23, $0xb8;
	[tilespmem:$0x18400] =	vst v63  }
0xd1: {  	_ = 	snop  }
0xd2: {  	[tilespmem:s17], [sflag:$0x3] =	stream.indirect.gather [hbm4b:s3+s23], $0x80, s30, s23, $0xb8;
	[tilespmem:$0x18400] =	vst v63  }
0xd3: {  	_ = 	snop  }
0xd4: {  	[tilespmem:s14], [sflag:$0x4] =	stream.indirect.gather [hbm4b:s3+s23], $0x80, s24, s23, $0xb8;
	[tilespmem:$0x18400] =	vst v63  }
0xd5: {  	_ = 	snop  }
0xd6: {  	[tilespmem:s11], [sflag:$0x5] =	stream.indirect.gather [hbm4b:s3+s23], $0x80, s25, s23, $0xb8;
	[tilespmem:$0x18400] =	vst v63  }
0xd7: {  	_ = 	snop  }
0xd8: {  	[tilespmem:s9], [sflag:$0x6] =	stream.indirect.gather [hbm4b:s3+s23], $0x80, s28, s23, $0xb8;
	[tilespmem:$0x18400] =	vst v63  }
0xd9: {  	_ =	swait.ge [sflag:s31], $0x4000  }
0xda: {  	[sflag:s31] =	ssyncset.done $0x0  }
0xdb: {  	s28 =	rddreg [dreg:$0xb];
	[sflag:s31] =	ssyncadd.s32 $0xFFFFC000  }
0xdc: {  	[hbm4b:s28+s2] =	stream.linear.scatter [tilespmem:s22], [sflag:$0x7], $0x4000, $0x38;
	[tilespmem:$0x18400] =	vst v63  }
0xdd: {  	_ =	swait.ge [sflag:s26], $0x4000  }
0xde: {  	[sflag:s26] =	ssyncset.done $0x0  }
0xdf: {  	s29 =	rddreg [dreg:$0xc];
	[sflag:s26] =	ssyncadd.s32 $0xFFFFC000  }
0xe0: {  	[hbm4b:s29+s2] =	stream.linear.scatter [tilespmem:s19], [sflag:$0x8], $0x4000, $0x38;
	[tilespmem:$0x18400] =	vst v63  }
0xe1: {  	_ =	swait.ge [sflag:s21], $0x4000  }
0xe2: {  	[sflag:s21] =	ssyncset.done $0x0  }
0xe3: {  	s30 =	rddreg [dreg:$0xd];
	[sflag:s21] =	ssyncadd.s32 $0xFFFFC000  }
0xe4: {  	[hbm4b:s30+s2] =	stream.linear.scatter [tilespmem:s17], [sflag:$0x9], $0x4000, $0x38;
	[tilespmem:$0x18400] =	vst v63  }
0xe5: {  	_ =	swait.ge [sflag:s20], $0x4000  }
0xe6: {  	[sflag:s20] =	ssyncset.done $0x0  }
0xe7: {  	[sflag:s20] =	ssyncadd.s32 $0xFFFFC000  }
0xe8: {  	[hbm4b:s6+s2] =	stream.linear.scatter [tilespmem:s14], [sflag:$0xA], $0x4000, $0x38;
	[tilespmem:$0x18400] =	vst v63  }
0xe9: {  	_ =	swait.ge [sflag:s18], $0x4000  }
0xea: {  	[sflag:s18] =	ssyncset.done $0x0  }
0xeb: {  	[sflag:s18] =	ssyncadd.s32 $0xFFFFC000  }
0xec: {  	[hbm4b:s5+s2] =	stream.linear.scatter [tilespmem:s11], [sflag:$0xB], $0x4000, $0x38;
	[tilespmem:$0x18400] =	vst v63  }
0xed: {  	_ =	swait.ge [sflag:s15], $0x4000  }
0xee: {  	[sflag:s15] =	ssyncset.done $0x0  }
0xef: {  	[sflag:s15] =	ssyncadd.s32 $0xFFFFC000  }
0xf0: {  	[hbm4b:s4+s2] =	stream.linear.scatter [tilespmem:s9], [sflag:$0xC], $0x4000, $0x38;
	[tilespmem:$0x18400] =	vst v63  }
0xf1: {  	_ =	swait.ge [sflag:s16], $0x4000  }
0xf2: {  	[sflag:s16] =	ssyncset.done $0x0  }
0xf3: {  	[sflag:s16] =	ssyncadd.s32 $0xFFFFC000  }
0xf4: {  	_ =	swait.ge [sflag:s13], $0x4000  }
0xf5: {  	[sflag:s13] =	ssyncset.done $0x0  }
0xf6: {  	[sflag:s13] =	ssyncadd.s32 $0xFFFFC000  }
0xf7: {  	_ =	swait.ge [sflag:s12], $0x4000  }
0xf8: {  	[sflag:s12] =	ssyncset.done $0x0  }
0xf9: {  	[sflag:s12] =	ssyncadd.s32 $0xFFFFC000  }
0xfa: {  	_ =	swait.ge [sflag:s10], $0x4000  }
0xfb: {  	[sflag:s10] =	ssyncset.done $0x0  }
0xfc: {  	[sflag:s10] =	ssyncadd.s32 $0xFFFFC000  }
0xfd: {  	_ =	swait.ge [sflag:s8], $0x4000  }
0xfe: {  	[sflag:s8] =	ssyncset.done $0x0  }
0xff: {  	[sflag:s8] =	ssyncadd.s32 $0xFFFFC000  }
0x100: {  	_ =	swait.ge [sflag:s7], $0x4000  }
0x101: {  	[sflag:s7] =	ssyncset.done $0x0  }
0x102: {  	[sflag:s7] =	ssyncadd.s32 $0xFFFFC000  }
0x103: {  	_ =	sfence.sel $0x180000  }
0x104: {  	[bflag:$0x0] =	sbarrier.arrive $0xFFFF  }
0x105: {  	_ =	strace $0x90000047  }
0x106: {  	s31 =	stileid.u32;
	[bflag:$0x2] =	sbarrier.arrive $0xFFFF  }
0x107: {  	p0 =	sne.s32 s31, $0x0;
	s0 =	rddreg [dreg:$0x4]  }
0x108: {  	s0 =	sadd.s32 @!p0 $0x100000, s0  }
0x109: {  	[sflag:s0] =	ssyncadd.tile.s32 @!p0 $0x1;
	_ =	shalt  }
.Lfunc_end2:
_tile_overlayer_lowered:
.L_overlay_start_2:
0x10a: {  	(tag) =	ssettag $0x2  }
0x10b: {  	s0 =	rddreg [dreg:$0x0];
	s2 =	stileid.u32  }
0x10c: {  	s1 =	rddreg [dreg:$0x1];
	p0 =	sne.s32 s2, $0x0  }
0x10d: {  	s3 =	rddreg [dreg:$0x2];
	[bflag:$0x3] =	sbarrier.arrive $0xFFFF;
	s2 =	simm.s32 @!p0 $0x1C0D  }
0x10e: {  	[timem:s3], [sflag:s2] =	dma.local @!p0 [hbm:s0], s1  }
0x10f: {  	s0 =	simm.s32 @!p0 $0xD  }
0x110: {  	_ =	swait.ge @!p0 [sflag:s0], s1  }
0x111: {  	s1 =	ssub.s32 @!p0 $0x0, s1;
	[sflag:s0] =	ssyncset.done @!p0 $0x0  }
0x112: {  	[sflag:s0] =	ssyncadd.s32 @!p0 s1  }
0x113: {  	[bflag:$0x3] =	sbarrier.arrive $0xFFFF  }
0x114: {  	_ =	shalt  }

// kernel: kernel.9.cloned.1.call-start
scs
__scs_entry_jumppad:
0x0: {  	(pc) =	sbr.rel $0x88, $3  }
0x1: {  	(tag) =	ssettag $0x0;
	lr =	simm.s32 $0x1  }
0x2: {  	[smem:$0x3F98] =	sst lr;
	_ =	strace $0xD0000000  }
0x3: {  	_ = 	snop  }
0x4: {  	_ = 	snop  }
0x5: {  	_ = 	snop  }
0x6: {  	_ = 	snop  }
0x7: {  	_ = 	snop  }
__scs_overlays_trampoline_lowered:
0x8: {  	[smem:$0x3FA7] =	sst s0  }
0x9: {  	[smem:$0x3FA8] =	sst s1  }
0xa: {  	[smem:$0x3FA9] =	sst s2  }
0xb: {  	[smem:$0x3FAA] =	sst s3  }
0xc: {  	[smem:$0x3FAB] =	sst s4  }
0xd: {  	[smem:$0x3FAC] =	sst s5  }
0xe: {  	[smem:$0x3FAD] =	sst s6  }
0xf: {  	[smem:$0x3FAE] =	sst s7  }
0x10: {  	[smem:$0x3FAF] =	sst s8  }
0x11: {  	[smem:$0x3FB0] =	sst s9;
	s0 =	simm.s32 @!p0 $0x0  }
0x12: {  	s1 =	sld [smem:$0x3F96];
	s0 =	simm.s32 @p0 $0x1  }
0x13: {  	[smem:$0x3FB1] =	sst s0;
	s0 =	simm.s32 @!p1 $0x0  }
0x14: {  	s2 =	sld [smem:$0x3F95];
	s0 =	simm.s32 @p1 $0x1  }
0x15: {  	[smem:$0x3FB2] =	sst s0;
	s0 =	simm.s32 @!p2 $0x0  }
0x16: {  	s3 =	sld [smem:$0x3FDB];
	s0 =	simm.s32 @p2 $0x1  }
0x17: {  	s4 =	simm.s32 $0x1BF5;
	[smem:$0x3FB4] =	sst s0  }
0x18: {  	s0 =	sld [smem:$0x3F97];
	_ =	swait.ge [sflag:s4], $0x0  }
0x19: {  	s7 =	sld [smem:$0x3F98]  }
0x1a: {  	s8 =	sadd.s32 $0xFFFFE003, lr  }
0x1b: {  	s9 =	sadd.s32 $0xFFFFFEF7, lr;
	s5 =	simm.s32 $0xFFFFFFFF;
	p2 =	slt.u32 s8, $0xFFFFF086  }
0x1c: {  	p1 =	slt.u32 s9, $0xF7A;
	s5 =	simm.s32 @!p2 $0x0  }
0x1d: {  	s5 =	simm.s32 @p1 $0x1;
	p0 =	seq.s32 s7, s2  }
0x1e: {  	s7 =	smul.u32 @!p0 $0xF7A, s2;
	p2 =	seq.s32 @!p0 s5, $0x0  }
0x1f: {  	s9 =	smul.u32 $0xF7A, s1;
	s8 =	simm.s32 @!p0 $0x1BF5;
	p2 =	por !p2, p0  }
0x20: {  	[sflag:s8] =	ssyncset.s32 @!p0 $0xFFFFF086;
	s6 =	sadd.s32 @!p0 s3, s7;
	s7 =	simm.s32 @!p0 $0x108  }
0x21: {  	s3 =	sadd.s32 s3, s9;
	s6 =	sadd.s32 @!p0 $0x88, s6;
	s7 =	simm.s32 @p2 $0x1082  }
0x22: {  	[simem:s7], [sflag:s8] =	dma.local @!p0 [hbm:s6], $0xF7A  }
0x23: {  	s9 =	sor.u32 $0xD0000000, s2;
	s6 =	simm.s32 $0x108;
	_ =	swait.ge @!p0 [sflag:s8], $0x0  }
0x24: {  	s3 =	sadd.s32 $0x88, s3;
	s6 =	simm.s32 @!p1 $0x1082;
	[sflag:s4] =	ssyncset.s32 $0xFFFFF086  }
0x25: {  	[simem:s6], [sflag:s4] =	dma.local [hbm:s3], $0xF7A  }
0x26: {  	[smem:$0x3F98] =	sst s1;
	(tag) =	ssettag s2;
	_ =	strace s9  }
0x27: {  	s1 =	sld [smem:$0x3FA8]  }
0x28: {  	s2 =	sld [smem:$0x3FA9]  }
0x29: {  	s4 =	sld [smem:$0x3FAB]  }
0x2a: {  	p0 =	seq.s32 s5, $0x0;
	s5 =	sld [smem:$0x3FAC]  }
0x2b: {  	s6 =	sld [smem:$0x3FAD]  }
0x2c: {  	s7 =	sld [smem:$0x3FAE]  }
0x2d: {  	s3 =	simm.s32 $0x108;
	s8 =	sld [smem:$0x3FAF]  }
0x2e: {  	s3 =	simm.s32 @!p0 $0x1082;
	s9 =	sld [smem:$0x3FB0]  }
0x2f: {  	lr =	sadd.s32 s0, s3;
	s0 =	sld [smem:$0x3FA7]  }
0x30: {  	s3 =	sld [smem:$0x3FAA]  }
0x31: {  	[smem:$0x3FB3] =	sst s10  }
0x32: {  	s10 =	sld [smem:$0x3FB1];
	_ =	sdelay $0x3  }
0x33: {  	p0 =	seq.s32 s10, $0x1;
	s10 =	sld [smem:$0x3FB3];
	_ =	sdelay $0x3  }
0x34: {  	[smem:$0x3FB3] =	sst s10  }
0x35: {  	s10 =	sld [smem:$0x3FB2];
	_ =	sdelay $0x3  }
0x36: {  	p1 =	seq.s32 s10, $0x1;
	s10 =	sld [smem:$0x3FB3];
	_ =	sdelay $0x3  }
0x37: {  	[smem:$0x3FB3] =	sst s10  }
0x38: {  	s10 =	sld [smem:$0x3FB4]  }
0x39: {  	_ = 	snop;
	(pc) =	sbr.ind lr, $3  }
0x3a: {  	_ = 	snop  }
0x3b: {  	_ = 	snop  }
0x3c: {  	p2 =	seq.s32 s10, $0x1;
	s10 =	sld [smem:$0x3FB3]  }
0x3d: {  	_ =	shalt  }
0x3e: {  	_ =	shalt  }
0x3f: {  	_ =	shalt  }
0x40: {  	_ =	shalt  }
0x41: {  	_ =	shalt  }
0x42: {  	_ =	shalt  }
0x43: {  	_ =	shalt  }
0x44: {  	_ =	shalt  }
0x45: {  	_ =	shalt  }
0x46: {  	_ =	shalt  }
0x47: {  	_ =	shalt  }
0x48: {  	_ =	shalt  }
0x49: {  	_ =	shalt  }
0x4a: {  	_ =	shalt  }
0x4b: {  	_ =	shalt  }
0x4c: {  	_ =	shalt  }
0x4d: {  	_ =	shalt  }
0x4e: {  	_ =	shalt  }
0x4f: {  	_ =	shalt  }
0x50: {  	_ =	shalt  }
0x51: {  	_ =	shalt  }
0x52: {  	_ =	shalt  }
0x53: {  	_ =	shalt  }
0x54: {  	_ =	shalt  }
0x55: {  	_ =	shalt  }
0x56: {  	_ =	shalt  }
0x57: {  	_ =	shalt  }
0x58: {  	_ =	shalt  }
0x59: {  	_ =	shalt  }
0x5a: {  	_ =	shalt  }
0x5b: {  	_ =	shalt  }
0x5c: {  	_ =	shalt  }
0x5d: {  	_ =	shalt  }
0x5e: {  	_ =	shalt  }
0x5f: {  	_ =	shalt  }
0x60: {  	_ =	shalt  }
0x61: {  	_ =	shalt  }
0x62: {  	_ =	shalt  }
0x63: {  	_ =	shalt  }
0x64: {  	_ =	shalt  }
0x65: {  	_ =	shalt  }
0x66: {  	_ =	shalt  }
0x67: {  	_ =	shalt  }
0x68: {  	_ =	shalt  }
0x69: {  	_ =	shalt  }
0x6a: {  	_ =	shalt  }
0x6b: {  	_ =	shalt  }
0x6c: {  	_ =	shalt  }
0x6d: {  	_ =	shalt  }
0x6e: {  	_ =	shalt  }
0x6f: {  	_ =	shalt  }
0x70: {  	_ =	shalt  }
0x71: {  	_ =	shalt  }
0x72: {  	_ =	shalt  }
0x73: {  	_ =	shalt  }
0x74: {  	_ =	shalt  }
0x75: {  	_ =	shalt  }
0x76: {  	_ =	shalt  }
0x77: {  	_ =	shalt  }
0x78: {  	_ =	shalt  }
0x79: {  	_ =	shalt  }
0x7a: {  	_ =	shalt  }
0x7b: {  	_ =	shalt  }
0x7c: {  	_ =	shalt  }
0x7d: {  	_ =	shalt  }
0x7e: {  	_ =	shalt  }
0x7f: {  	_ =	shalt  }
0x80: {  	_ =	shalt  }
0x81: {  	_ =	shalt  }
0x82: {  	_ =	shalt  }
0x83: {  	_ =	shalt  }
0x84: {  	_ =	shalt  }
0x85: {  	_ =	shalt  }
0x86: {  	_ =	shalt  }
0x87: {  	_ =	shalt  }
.Lfunc_end0:
.L_simem_size_0:
called_computation.1_lowered:
.L_overlay_start_0:
0x88: {  	s2 =	sld [smem:$0x3FD9]  }
0x89: {  	s3 =	sld [smem:$0x3FFE];
	_ =	sdelay $0x1  }
0x8a: {  	s1 =	srdreg.scid  }
0x8b: {  	s0 =	sand.u32 $0x1, s1  }
0x8c: {  	s17 =	sshll.u32 s0, $0xA;
	s2 =	sadd.s32 s3, s2  }
0x8d: {  	s2 =	sadd.s32 s2, s17  }
0x8e: {  	[smem:$0x3FBF] =	sst s2  }
0x8f: {  	_ = 	snop  }
0x90: {  	s18 =	sld [smem:$0x3FC9]  }
0x91: {  	s4 =	sld [smem:$0x3FC8]  }
0x92: {  	s5 =	sld [smem:$0x3FC7];
	(tm) =	ssettm $0x1  }
0x93: {  	s19 =	sld [smem:$0x3FFB];
	_ =	sdelay $0x3  }
0x94: {  	_ =	strace s19  }
0x95: {  	s2 =	sld [smem:$0x3FFC];
	_ =	sdelay $0x3  }
0x96: {  	_ =	strace s2  }
0x97: {  	s2 =	sld [smem:$0x3FFD];
	_ =	sdelay $0x3  }
0x98: {  	_ =	strace s2  }
0x99: {  	_ =	strace $0x8FFFFFFF  }
0x9a: {  	s20 =	sld [smem:$0x3FDB];
	_ =	sdelay $0x1  }
0x9b: {  	s6 =	simm.s32 $_scs_section_size  }
0x9c: {  	s7 =	simm.s32 $_size__tile_overlayer_lowered;
	s8 =	simm.s32 $_tile_overlayer_lowered  }
0x9d: {  	s9 =	simm.s32 $0x1BFF;
	s21 =	sshll.u32 s8, $0x1;
	s6 =	sadd.s32 s6, s20  }
0x9e: {  	s22 =	simm.s32 $0x0;
	s7 =	sshll.u32 s7, $0x1;
	s8 =	sadd.s32 s21, s6  }
0x9f: {  	[timem:s22], [sflag:s9] =	dma.local [hbm:s8], s7  }
0xa0: {  	_ =	swait.ge [sflag:s9], s7  }
0xa1: {  	s7 =	ssub.s32 $0x0, s7;
	[sflag:s9] =	ssyncset.done $0x0  }
0xa2: {  	[sflag:s9] =	ssyncadd.s32 s7;
	_ =	sdelay $0x1  }
0xa3: {  	s23 =	simm.s32 $0x1B8B  }
0xa4: {  	_ =	swait.ge [sflag:s23], $0x1  }
0xa5: {  	[sflag:s23] =	ssyncset.done $0x0  }
0xa6: {  	[sflag:s23] =	ssyncadd.s32 $0xFFFFFFFF  }
0xa7: {  	s7 =	sld [smem:$0x0]  }
0xa8: {  	s8 =	sand.u32 $0xFFFFFFFE, s1  }
0xa9: {  	p0 =	sne.s32 s1, s8  }
0xaa: {  	s8 =	sshll.u32 @p0 s8, $0xE  }
0xab: {  	s8 =	sadd.s32 @p0 $0x11B8D, s8;
	s9 =	sshll.u32 @p0 s7, $0x11  }
0xac: {  	s8 =	sor.u32 @p0 s9, s8  }
0xad: {  	[sflag:s8] =	ssyncadd.remote.s32 @p0 $0x1;
	_ =	sdelay $0x1  }
0xae: {  	s8 =	simm.s32 @p0 $0x1B8D  }
0xaf: {  	_ =	swait.eq @p0 [sflag:s8], $0x1  }
0xb0: {  	[sflag:s8] =	ssyncadd.s32 @p0 $0xFFFFFFFF  }
0xb1: {  	s9 =	sshll.u32 @!p0 s1, $0xE  }
0xb2: {  	s9 =	sor.u32 @!p0 $0x4000, s9;
	s8 =	simm.s32 @!p0 $0x1B8D  }
0xb3: {  	s7 =	sshll.u32 @!p0 s7, $0x11;
	s9 =	sadd.s32 @!p0 $0x11B8D, s9;
	_ =	swait.eq @!p0 [sflag:s8], $0x1  }
0xb4: {  	s7 =	sor.u32 @!p0 s7, s9;
	[sflag:s8] =	ssyncadd.s32 @!p0 $0xFFFFFFFF  }
0xb5: {  	s25 =	simm.s32 $0x1B8E;
	s24 =	sld [smem:$0x3FFE];
	[sflag:s7] =	ssyncadd.remote.s32 @!p0 $0x1  }
0xb6: {  	s26 =	simm.s32 $execute0_lowered;
	[smem:$0x3FD2] =	sst s25  }
0xb7: {  	s8 =	sshll.u32 s26, $0x1;
	_ =	strace $0x80000049;
	[dreg:$0x1] =	wrdreg $0xFFFFFFFF  }
0xb8: {  	s28 =	simm.s32 $_size_execute0_lowered;
	s6 =	sadd.s32 s6, s8;
	[dreg:$0x0] =	wrdreg $0x0  }
0xb9: {  	s8 =	sshll.u32 s28, $0x1;
	[dreg:$0x2] =	wrdreg s6  }
0xba: {  	[dreg:$0x3] =	wrdreg s8  }
0xbb: {  	[dreg:$0x4] =	wrdreg $0xC0  }
0xbc: {  	_ =	task [dreg:s22], $0x5FFFF  }
0xbd: {  	[dreg:$0x1] =	wrdreg $0xFFFFFFFF  }
0xbe: {  	[dreg:$0x0] =	wrdreg $0x60  }
0xbf: {  	[dreg:$0x2] =	wrdreg s5  }
0xc0: {  	[dreg:$0x3] =	wrdreg s18  }
0xc1: {  	[dreg:$0x4] =	wrdreg s4  }
0xc2: {  	[dreg:$0x5] =	wrdreg s24  }
0xc3: {  	[dreg:$0x6] =	wrdreg $0xA  }
0xc4: {  	_ =	task.clear_ibuf [dreg:s22], $0x7FFFF;
	_ =	strace $0x90000049  }
0xc5: {  	s29 =	simm.s32 $0xA;
	_ =	strace $0x8000004B  }
0xc6: {  	_ =	swait.ge [sflag:s29], $0x1  }
0xc7: {  	[sflag:s29] =	ssyncadd.s32 $0xFFFFFFFF  }
0xc8: {  	_ =	strace $0x9000004B  }
0xc9: {  	_ =	sfence  }
0xca: {  	s30 =	sld [smem:$0x0];
	_ =	sdelay $0x2  }
0xcb: {  	s31 =	sshll.u32 s1, $0xD;
	s1 =	sshrl.u32 s1, $0x2  }
0xcc: {  	s4 =	sand.u32 $0x4000, s31;
	s1 =	sadd.s32 s1, s30  }
0xcd: {  	s0 =	sor.u32 s4, s0;
	s1 =	sshll.u32 s1, $0x11  }
0xce: {  	s0 =	sor.u32 s1, s0  }
0xcf: {  	s0 =	sadd.s32 $0x8F2B, s0  }
0xd0: {  	[sflag:s0] =	ssyncadd.remote.s32 $0x1  }
0xd1: {  	_ =	sfence.sel $0xFFFF  }
0xd2: {  	[dreg:$0x0] =	wrdreg $0xFFFFFFFF;
	(pc) =	sbr.abs _section_cstart, $3  }
0xd3: {  	[dreg:$0x1] =	wrdreg $0xFFFFFFFF  }
0xd4: {  	_ =	task.clear_ibuf [dreg:s22], $0x2FFFF;
	_ =	strace $0x9FFFFFFF  }
0xd5: {  	(tm) =	ssettm $0x7FFFFFFF  }
tec
execute0_lowered:
.L_overlay_start_1:
0x0: {  	(tag) =	ssettag $0x1  }
0x1: {  	s1 =	rddreg [dreg:$0x0]  }
0x2: {  	s4 =	rddreg [dreg:$0x1]  }
0x3: {  	s2 =	srdreg.scid;
	s0 =	stileid.u32  }
0x4: {  	s6 =	rddreg [dreg:$0x2];
	s13 =	sand.u32 $0x1, s2;
	s31 =	sshll.u32 s0, $0x1  }
0x5: {  	s11 =	rddreg [dreg:$0x3];
	s12 =	sor.u32 s13, s31  }
0x6: {  	s3 =	simm.s32 $0x0;
	s2 =	rddreg [dreg:$0x4];
	s5 =	sshll.u32 s12, $0x4  }
0x7: {  	[smem:$0x7FF] =	sst s3;
	s7 =	sor.u32 $0x600, s5  }
0x8: {  	_ =	strace $0x8000004A;
	s5 =	simm.s32 $0x5;
	s4 =	sadd.s32 s4, s7  }
0x9: {  	[tilespmem:s3], [sflag:$0x5] =	stream.linear.gather [hbm4b:s4+s3], $0x80, $0x38;
	[tilespmem:$0x8100] =	vst v63  }
0xa: {  	_ =	swait.ge [sflag:s5], $0x80  }
0xb: {  	[sflag:s5] =	ssyncset.done $0x0  }
0xc: {  	s6 =	sadd.s32 s6, s7;
	s7 =	simm.s32 $0x80;
	[sflag:s5] =	ssyncadd.s32 $0xFFFFFF80  }
0xd: {  	[tilespmem:s7], [sflag:$0x5] =	stream.linear.gather [hbm4b:s6+s3], $0x80, $0x38;
	[tilespmem:$0x8100] =	vst v63  }
0xe: {  	_ =	swait.ge [sflag:s5], $0x80  }
0xf: {  	[sflag:s5] =	ssyncset.done $0x0  }
0x10: {  	s8 =	simm.s32 $0x100;
	[sflag:s5] =	ssyncadd.s32 $0xFFFFFF80  }
0x11: {  	[tilespmem:s8], [sflag:$0x1] =	stream.indirect.gather [hbm4b:s1+s7], $0x80, s3, s7, $0xb8;
	[tilespmem:$0x8100] =	vst v63  }
0x12: {  	s9 =	simm.s32 $0x4100;
	s10 =	simm.s32 $0x1  }
0x13: {  	[tilespmem:s9], [sflag:$0x2] =	stream.indirect.gather [hbm4b:s1+s7], $0x80, s7, s7, $0xb8;
	[tilespmem:$0x8100] =	vst v63  }
0x14: {  	s15 =	ssub.s32 $0x2, s13;
	s12 =	sshll.u32 s12, $0xB;
	_ =	swait.ge [sflag:s10], $0x4000  }
0x15: {  	s16 =	sshrl.u32 s15, $0x1;
	s14 =	sadd.s32 s12, s11;
	[sflag:s10] =	ssyncset.done $0x0  }
0x16: {  	s12 =	simm.s32 $0x2;
	s11 =	sadd.s32 $0x61800, s14;
	[sflag:s10] =	ssyncadd.s32 $0xFFFFC000  }
0x17: {  	[hbm4b:s11+s3] =	stream.linear.scatter [tilespmem:s8], [sflag:$0x3], $0x4000, $0x38;
	[tilespmem:$0x8100] =	vst v63  }
0x18: {  	s15 =	ssub.s32 s15, s16;
	_ =	swait.ge [sflag:s12], $0x4000  }
0x19: {  	s13 =	sadd.s32 $0x71800, s14;
	s16 =	smax.u32 s15, $0x1;
	[sflag:s12] =	ssyncset.done $0x0  }
0x1a: {  	s14 =	simm.s32 $0x3;
	p0 =	sne.s32 s16, $0x1;
	[sflag:s12] =	ssyncadd.s32 $0xFFFFC000  }
0x1b: {  	[hbm4b:s13+s3] =	stream.linear.scatter [tilespmem:s9], [sflag:$0x4], $0x4000, $0x38;
	[tilespmem:$0x8100] =	vst v63  }
.Ltmp0:
0x1c: {  	_ =	swait.ge [sflag:s14], $0x4000;
	(pc) =	sbr.rel @!p0 .LBB2_2-.Ltmp0, $4  }
0x1d: {  	[sflag:s14] =	ssyncset.done $0x0  }
0x1e: {  	s15 =	simm.s32 $0x4;
	[sflag:s14] =	ssyncadd.s32 $0xFFFFC000  }
0x1f: {  	_ =	swait.ge [sflag:s15], $0x4000  }
0x20: {  	s16 =	sadd.s32 $0xFFFFFFFF, s16;
	[sflag:s15] =	ssyncset.done $0x0  }
.LBB2_1:
0x21: {  	p0 =	sne.s32 s16, $0x1;
	s16 =	sadd.s32 $0xFFFFFFFF, s16;
	[sflag:s15] =	ssyncadd.s32 $0xFFFFC000  }
0x22: {  	[tilespmem:s3], [sflag:$0x5] =	stream.linear.gather [hbm4b:s4+s3], $0x80, $0x38;
	[tilespmem:$0x8100] =	vst v63  }
0x23: {  	_ =	swait.ge [sflag:s5], $0x80  }
0x24: {  	[sflag:s5] =	ssyncset.done $0x0  }
0x25: {  	[sflag:s5] =	ssyncadd.s32 $0xFFFFFF80  }
0x26: {  	[tilespmem:s7], [sflag:$0x5] =	stream.linear.gather [hbm4b:s6+s3], $0x80, $0x38;
	[tilespmem:$0x8100] =	vst v63  }
0x27: {  	_ =	swait.ge [sflag:s5], $0x80  }
0x28: {  	[sflag:s5] =	ssyncset.done $0x0  }
0x29: {  	[sflag:s5] =	ssyncadd.s32 $0xFFFFFF80  }
0x2a: {  	[tilespmem:s8], [sflag:$0x1] =	stream.indirect.gather [hbm4b:s1+s7], $0x80, s3, s7, $0xb8;
	[tilespmem:$0x8100] =	vst v63  }
0x2b: {  	_ = 	snop  }
0x2c: {  	[tilespmem:s9], [sflag:$0x2] =	stream.indirect.gather [hbm4b:s1+s7], $0x80, s7, s7, $0xb8;
	[tilespmem:$0x8100] =	vst v63  }
0x2d: {  	_ =	swait.ge [sflag:s10], $0x4000  }
0x2e: {  	[sflag:s10] =	ssyncset.done $0x0  }
0x2f: {  	[sflag:s10] =	ssyncadd.s32 $0xFFFFC000  }
0x30: {  	[hbm4b:s11+s3] =	stream.linear.scatter [tilespmem:s8], [sflag:$0x3], $0x4000, $0x38;
	[tilespmem:$0x8100] =	vst v63  }
0x31: {  	_ =	swait.ge [sflag:s12], $0x4000  }
0x32: {  	[sflag:s12] =	ssyncset.done $0x0  }
0x33: {  	[sflag:s12] =	ssyncadd.s32 $0xFFFFC000  }
0x34: {  	[hbm4b:s13+s3] =	stream.linear.scatter [tilespmem:s9], [sflag:$0x4], $0x4000, $0x38;
	[tilespmem:$0x8100] =	vst v63  }
.Ltmp1:
0x35: {  	_ =	swait.ge [sflag:s14], $0x4000;
	(pc) =	sbr.rel @p0 .LBB2_1-.Ltmp1, $4  }
0x36: {  	[sflag:s14] =	ssyncset.done $0x0  }
0x37: {  	[sflag:s14] =	ssyncadd.s32 $0xFFFFC000  }
0x38: {  	_ =	swait.ge [sflag:s15], $0x4000  }
0x39: {  	[sflag:s15] =	ssyncset.done $0x0  }
.LBB2_2:
0x3a: {  	[sflag:s15] =	ssyncadd.s32 $0xFFFFC000  }
0x3b: {  	_ =	sfence.sel $0x180000  }
0x3c: {  	[bflag:$0x0] =	sbarrier.arrive $0xFFFF  }
0x3d: {  	p0 =	sne.s32 s0, $0x0;
	_ =	strace $0x9000004A  }
0x3e: {  	s0 =	sadd.s32 @!p0 $0x100000, s2;
	[bflag:$0x2] =	sbarrier.arrive $0xFFFF  }
0x3f: {  	[sflag:s0] =	ssyncadd.tile.s32 @!p0 $0x1;
	_ =	shalt  }
.Lfunc_end2:
_tile_overlayer_lowered:
.L_overlay_start_2:
0x40: {  	(tag) =	ssettag $0x2  }
0x41: {  	s0 =	rddreg [dreg:$0x0];
	s2 =	stileid.u32  }
0x42: {  	s1 =	rddreg [dreg:$0x1];
	p0 =	sne.s32 s2, $0x0  }
0x43: {  	s3 =	rddreg [dreg:$0x2];
	[bflag:$0x3] =	sbarrier.arrive $0xFFFF;
	s2 =	simm.s32 @!p0 $0x1C05  }
0x44: {  	[timem:s3], [sflag:s2] =	dma.local @!p0 [hbm:s0], s1  }
0x45: {  	s0 =	simm.s32 @!p0 $0x5  }
0x46: {  	_ =	swait.ge @!p0 [sflag:s0], s1  }
0x47: {  	s1 =	ssub.s32 @!p0 $0x0, s1;
	[sflag:s0] =	ssyncset.done @!p0 $0x0  }
0x48: {  	[sflag:s0] =	ssyncadd.s32 @!p0 s1  }
0x49: {  	[bflag:$0x3] =	sbarrier.arrive $0xFFFF  }
0x4a: {  	_ =	shalt  }

</sc_bundles>
